<compile_context>
chip_gen: v7x
topology: tpu7x:2x2x1
jax: 0.10.2.dev20260603
libtpu: 0.0.44.dev20260713+nightly
codegen_flags: <defaults>
</compile_context>

<pallas_src>
import functools

import jax
import jax.numpy as jnp
from jax import lax
from jax.experimental import pallas as pl
from jax.experimental.pallas import tpu as pltpu
from jax.experimental.pallas import tpu_sc as plsc

_D = 13
_NW = 32
_CH = 3200


def _sc_bias_kernel(
    CH, n_chunks, at_hbm, wvc_hbm, out_hbm,
    b0a, b1a, b0b, b1b, acc_buf, wv_buf, sem_a, sem_b, sem_a2, sem_b2,
):
    wid = lax.axis_index("s") * 2 + lax.axis_index("c")
    n_t = (n_chunks - wid + _NW - 1) // _NW

    pltpu.sync_copy(wvc_hbm, wv_buf)
    wv_all = wv_buf[...]

    def _splat(d):
        idx = jnp.full((16,), d, jnp.int32)
        return wv_all.at[idx].get(mode="promise_in_bounds")

    wvecs = [_splat(d) for d in range(_D)]
    cvec = _splat(_D)

    pairs = ((b0a, b1a, sem_a, sem_a2), (b0b, b1b, sem_b, sem_b2))

    def in_copies(t, pair):
        b0, b1, sem, sem2 = pair
        e0 = (t * _NW + wid) * CH
        return (
            pltpu.make_async_copy(at_hbm.at[pl.ds(0, 8), pl.ds(e0, CH)], b0, sem),
            pltpu.make_async_copy(at_hbm.at[pl.ds(8, _D - 8), pl.ds(e0, CH)], b1, sem2),
        )

    @pl.when(n_t > 0)
    def _():
        for cp in in_copies(0, pairs[0]):
            cp.start()

    per_w = -(-n_chunks // _NW)
    n_outer = -(-per_w // 2)

    def outer(k, _):
        for b in range(2):
            t = k * 2 + b

            @pl.when(t + 1 < n_t)
            def _():
                for cp in in_copies(t + 1, pairs[1 - b]):
                    cp.start()

            @pl.when(t < n_t)
            def _():
                b0, b1 = pairs[b][0], pairs[b][1]
                for cp in in_copies(t, pairs[b]):
                    cp.wait()

                def group(g):
                    acc = cvec
                    for d in range(8):
                        acc = acc + b0[d, pl.ds(g, 16)] * wvecs[d]
                    for d in range(_D - 8):
                        acc = acc + b1[d, pl.ds(g, 16)] * wvecs[8 + d]
                    acc_buf[pl.ds(g, 16)] = acc

                plsc.parallel_loop(0, CH, step=16, unroll=4)(group)
                e0 = (t * _NW + wid) * CH
                pltpu.sync_copy(acc_buf, out_hbm.at[pl.ds(e0, CH)])

        return 0

    lax.fori_loop(0, n_outer, outer, 0)


def _sc_part(At, wvc, E_sc):
    n_chunks = E_sc // _CH
    mesh = plsc.VectorSubcoreMesh(
        core_axis_name="c", subcore_axis_name="s", num_cores=2, num_subcores=16
    )
    k = pl.kernel(
        functools.partial(_sc_bias_kernel, _CH, n_chunks),
        mesh=mesh,
        out_type=jax.ShapeDtypeStruct((E_sc,), jnp.float32),
        scratch_types=[
            pltpu.VMEM((8, _CH), jnp.float32),
            pltpu.VMEM((_D - 8, _CH), jnp.float32),
            pltpu.VMEM((8, _CH), jnp.float32),
            pltpu.VMEM((_D - 8, _CH), jnp.float32),
            pltpu.VMEM((_CH,), jnp.float32),
            pltpu.VMEM((16,), jnp.float32),
            pltpu.SemaphoreType.DMA,
            pltpu.SemaphoreType.DMA,
            pltpu.SemaphoreType.DMA,
            pltpu.SemaphoreType.DMA,
        ],
        compiler_params=pltpu.CompilerParams(needs_layout_passes=False),
    )
    return k(At, wvc)


def _tc_body(a_ref, w_ref, c_ref, o_ref):
    o_ref[...] = jnp.sum(a_ref[...] * w_ref[...], axis=0) + c_ref[0, 0]


def _tc_part(At, wcol, c2d, blk0, n_blk, BLKL):
    D = At.shape[0]
    return pl.pallas_call(
        _tc_body,
        grid=(n_blk,),
        in_specs=[
            pl.BlockSpec((D, BLKL), lambda i: (0, i + blk0)),
            pl.BlockSpec((D, 1), lambda i: (0, 0)),
            pl.BlockSpec(memory_space=pltpu.SMEM),
        ],
        out_specs=pl.BlockSpec((BLKL,), lambda i: (i,)),
        out_shape=jax.ShapeDtypeStruct((n_blk * BLKL,), jnp.float32),
        compiler_params=pltpu.CompilerParams(
            dimension_semantics=("arbitrary",),
        ),
    )(At, wcol, c2d)


def kernel(edge_attr, W_edge, b_edge, edge_index, n_nodes, batch):
    E, D = edge_attr.shape
    if E == 0:
        return jnp.zeros((0,), dtype=jnp.float32)

    wv = jnp.mean(W_edge, axis=1)
    c = jnp.mean(b_edge)
    wvc = jnp.concatenate([wv, c[None], jnp.zeros((16 - D - 1,), jnp.float32)])
    wcol = wv[:, None]
    c2d = c.reshape(1, 1)

    At = edge_attr.T

    BLKL = 0
    for cand in range(131072, 1023, -1024):
        if E % cand == 0 and cand % _CH == 0:
            BLKL = cand
            break
    if BLKL == 0:
        for cand in range(131072, 1023, -1024):
            if E % cand == 0:
                return _tc_part(At, wcol, c2d, 0, E // cand, cand)
        out = jnp.dot(edge_attr, wv, preferred_element_type=jnp.float32)
        return out + c

    n_blk = E // BLKL
    k_sc = (n_blk * 2) // 5
    if k_sc == 0 or k_sc == n_blk:
        return _tc_part(At, wcol, c2d, 0, n_blk, BLKL)

    out_sc = _sc_part(At, wvc, k_sc * BLKL)
    out_tc = _tc_part(At, wcol, c2d, k_sc, n_blk - k_sc, BLKL)
    return jnp.concatenate([out_sc, out_tc])

# --- scband reference (transcript-rebuilt; emitter-appended) ---
"""Pipeline reference for scband-graphormer-bias-10771777978572 (READ-ONLY COPY).

The authoritative reference and input builder live on the scoring server;
editing this copy changes nothing except your own understanding.
"""

import jax, jax.numpy as jnp
import numpy as np

N_NODES = 100000
N_EDGES = 3200000
BOND_FEATURES_DIM = 13
N_HEADS = 16
MAX_DIST = 8


def setup_inputs(seed: int = 0) -> dict:
    key = jax.random.key(seed)
    k1, k2, k3, k4, k5 = jax.random.split(key, 5)
    edge_index = jax.random.randint(k1, (2, N_EDGES), 0, N_NODES, dtype=jnp.int64 if jax.config.jax_enable_x64 else jnp.int32).astype(jnp.int32)
    edge_attr = jax.random.normal(k2, (N_EDGES, BOND_FEATURES_DIM), dtype=jnp.float32)
    batch = jnp.sort(jax.random.randint(k3, (N_NODES,), 0, 512, dtype=jnp.int32))
    # Learned params of edge_bias: nn.Linear(13, n_heads)
    bound = 1.0 / np.sqrt(BOND_FEATURES_DIM)
    W_edge = jax.random.uniform(k4, (BOND_FEATURES_DIM, N_HEADS), minval=-bound, maxval=bound, dtype=jnp.float32)
    b_edge = jax.random.uniform(k5, (N_HEADS,), minval=-bound, maxval=bound, dtype=jnp.float32)
    return {
        "edge_attr": edge_attr,
        "W_edge": W_edge,
        "b_edge": b_edge,
        "edge_index": edge_index,
        "n_nodes": N_NODES,
        "batch": batch,
    }


def reference(edge_attr, W_edge, b_edge, edge_index, n_nodes, batch):
    # Faithful translation of GraphormerBias.get_bias:
    #   bias = self.edge_bias(edge_attr).mean(dim=-1)
    if edge_attr.shape[0] == 0:
        return jnp.zeros((0,), dtype=jnp.float32)
    per_head = edge_attr @ W_edge + b_edge  # [E, n_heads]
    bias = per_head.mean(axis=-1)  # [E]
    return bias

if __name__ == "__main__":
    import jax
    _d = setup_inputs()
    print(jax.jit(kernel)(*tuple(_d.values())))

</pallas_src>

<mosaic_0001>
#map = affine_map<(d0, d1) -> (0, 0)>
#map1 = affine_map<(d0, d1) -> (0)>
module attributes {stable_mosaic.version = 14 : i64} {
  func.func @_sc_bias_kernel(%arg0: i32, %arg1: i32, %arg2: memref<13x3200000xf32, #tpu.memory_space<hbm>>, %arg3: memref<16xf32, #tpu.memory_space<hbm>>, %arg4: memref<1280000xf32, #tpu.memory_space<hbm>>, %arg5: memref<8x3200xf32, #tpu.memory_space<vmem>>, %arg6: memref<5x3200xf32, #tpu.memory_space<vmem>>, %arg7: memref<8x3200xf32, #tpu.memory_space<vmem>>, %arg8: memref<5x3200xf32, #tpu.memory_space<vmem>>, %arg9: memref<3200xf32, #tpu.memory_space<vmem>>, %arg10: memref<16xf32, #tpu.memory_space<vmem>>, %arg11: memref<!tpu.dma_semaphore, #tpu.memory_space<semaphore_mem>>, %arg12: memref<!tpu.dma_semaphore, #tpu.memory_space<semaphore_mem>>, %arg13: memref<!tpu.dma_semaphore, #tpu.memory_space<semaphore_mem>>, %arg14: memref<!tpu.dma_semaphore, #tpu.memory_space<semaphore_mem>>) attributes {dimension_semantics = [#tpu.dimension_semantics<core_parallel>, #tpu.dimension_semantics<subcore_parallel>], iteration_bounds = array<i64: 2, 16>, scalar_prefetch = 0 : i64, scratch_operands = 10 : i64, tpu.core_type = #tpu.core_type<sc_vector_subcore>, window_params = [{transform_indices = #map}, {transform_indices = #map1}, {transform_indices = #map1}]} {
    %mul3A = arith.constant 2 : i32
    %mul3A_0 = arith.muli %arg1, %mul3A : i32
    %add3A = arith.addi %mul3A_0, %arg0 : i32
    %sub3A = arith.constant 400 : i32
    %sub3A_1 = arith.subi %sub3A, %add3A : i32
    %add3A_2 = arith.constant 32 : i32
    %add3A_3 = arith.addi %sub3A_1, %add3A_2 : i32
    %sub3A_4 = arith.constant 1 : i32
    %sub3A_5 = arith.subi %add3A_3, %sub3A_4 : i32
    %jit3A = arith.constant 32 : i32
    %div3A = arith.divsi %sub3A_5, %jit3A : i32
    %sign3A = arith.constant 0 : i32
    %sign3A_6 = arith.cmpi sgt, %sub3A_5, %sign3A : i32
    %sign3A_7 = arith.extui %sign3A_6 : i1 to i32
    %sign3A_8 = arith.constant 0 : i32
    %sign3A_9 = arith.cmpi slt, %sub3A_5, %sign3A_8 : i32
    %sign3A_10 = arith.extui %sign3A_9 : i1 to i32
    %sign3A_11 = arith.subi %sign3A_7, %sign3A_10 : i32
    %sign3A_12 = arith.constant 0 : i32
    %sign3A_13 = arith.cmpi sgt, %jit3A, %sign3A_12 : i32
    %sign3A_14 = arith.extui %sign3A_13 : i1 to i32
    %sign3A_15 = arith.constant 0 : i32
    %sign3A_16 = arith.cmpi slt, %jit3A, %sign3A_15 : i32
    %sign3A_17 = arith.extui %sign3A_16 : i1 to i32
    %sign3A_18 = arith.subi %sign3A_14, %sign3A_17 : i32
    %ne3A = arith.cmpi ne, %sign3A_11, %sign3A_18 : i32
    %rem3A = arith.remsi %sub3A_5, %jit3A : i32
    %ne3A_19 = arith.constant 0 : i32
    %ne3A_20 = arith.cmpi ne, %rem3A, %ne3A_19 : i32
    %and3A = arith.andi %ne3A, %ne3A_20 : i1
    %sub3A_21 = arith.constant 1 : i32
    %sub3A_22 = arith.subi %div3A, %sub3A_21 : i32
    %select_n3A = arith.select %and3A, %sub3A_22, %div3A : i32
    "tpu.region"() ({
      %run_scoped3A = tpu.sem_alloc : memref<!tpu.dma_semaphore, #tpu.memory_space<semaphore_mem>>
      tpu.enqueue_dma source(%arg3 : memref<16xf32, #tpu.memory_space<hbm>>) target(%arg10 : memref<16xf32, #tpu.memory_space<vmem>>) target_semaphore(%run_scoped3A : memref<!tpu.dma_semaphore, #tpu.memory_space<semaphore_mem>>)
      tpu.wait_dma2 semaphore(%run_scoped3A : memref<!tpu.dma_semaphore, #tpu.memory_space<semaphore_mem>>) src(%arg3 : memref<16xf32, #tpu.memory_space<hbm>>) dst(%arg10 : memref<16xf32, #tpu.memory_space<vmem>>)
      tpu.yield
    }) : () -> ()
    %get3A = arith.constant 0 : index
    %get3A_23 = tpu.vector_load %arg10[%get3A] {strides = array<i32>} : memref<16xf32, #tpu.memory_space<vmem>>, vector<16xf32>,
    %broadcast_in_dim3A = arith.constant 0 : i32
    %broadcast_in_dim3A_24 = vector.broadcast %broadcast_in_dim3A : i32 to vector<16xi32>
    %lt3A = arith.constant 0 : i32
    %lt3A_25 = vector.broadcast %lt3A : i32 to vector<16xi32>
    %lt3A_26 = arith.cmpi slt, %broadcast_in_dim3A_24, %lt3A_25 : vector<16xi32>
    %add3A_27 = arith.constant 16 : i32
    %add3A_28 = vector.broadcast %add3A_27 : i32 to vector<16xi32>
    %add3A_29 = arith.addi %broadcast_in_dim3A_24, %add3A_28 : vector<16xi32>
    %select_n3A_30 = arith.select %lt3A_26, %add3A_29, %broadcast_in_dim3A_24 : vector<16xi1>, vector<16xi32>
    %broadcast_in_dim3A_31 = vector.shape_cast %select_n3A_30 : vector<16xi32> to vector<16x1xi32>
    %gather3A = vector.shape_cast %broadcast_in_dim3A_31 : vector<16x1xi32> to vector<16xi32>
    %gather3A_32 = tpu.dynamic_gather %get3A_23[%gather3A] in [0] : vector<16xf32>, vector<16xi32> -> vector<16xf32>
    %broadcast_in_dim3A_33 = arith.constant 1 : i32
    %broadcast_in_dim3A_34 = vector.broadcast %broadcast_in_dim3A_33 : i32 to vector<16xi32>
    %lt3A_35 = arith.constant 0 : i32
    %lt3A_36 = vector.broadcast %lt3A_35 : i32 to vector<16xi32>
    %lt3A_37 = arith.cmpi slt, %broadcast_in_dim3A_34, %lt3A_36 : vector<16xi32>
    %add3A_38 = arith.constant 16 : i32
    %add3A_39 = vector.broadcast %add3A_38 : i32 to vector<16xi32>
    %add3A_40 = arith.addi %broadcast_in_dim3A_34, %add3A_39 : vector<16xi32>
    %select_n3A_41 = arith.select %lt3A_37, %add3A_40, %broadcast_in_dim3A_34 : vector<16xi1>, vector<16xi32>
    %broadcast_in_dim3A_42 = vector.shape_cast %select_n3A_41 : vector<16xi32> to vector<16x1xi32>
    %gather3A_43 = vector.shape_cast %broadcast_in_dim3A_42 : vector<16x1xi32> to vector<16xi32>
    %gather3A_44 = tpu.dynamic_gather %get3A_23[%gather3A_43] in [0] : vector<16xf32>, vector<16xi32> -> vector<16xf32>
    %broadcast_in_dim3A_45 = arith.constant 2 : i32
    %broadcast_in_dim3A_46 = vector.broadcast %broadcast_in_dim3A_45 : i32 to vector<16xi32>
    %lt3A_47 = arith.constant 0 : i32
    %lt3A_48 = vector.broadcast %lt3A_47 : i32 to vector<16xi32>
    %lt3A_49 = arith.cmpi slt, %broadcast_in_dim3A_46, %lt3A_48 : vector<16xi32>
    %add3A_50 = arith.constant 16 : i32
    %add3A_51 = vector.broadcast %add3A_50 : i32 to vector<16xi32>
    %add3A_52 = arith.addi %broadcast_in_dim3A_46, %add3A_51 : vector<16xi32>
    %select_n3A_53 = arith.select %lt3A_49, %add3A_52, %broadcast_in_dim3A_46 : vector<16xi1>, vector<16xi32>
    %broadcast_in_dim3A_54 = vector.shape_cast %select_n3A_53 : vector<16xi32> to vector<16x1xi32>
    %gather3A_55 = vector.shape_cast %broadcast_in_dim3A_54 : vector<16x1xi32> to vector<16xi32>
    %gather3A_56 = tpu.dynamic_gather %get3A_23[%gather3A_55] in [0] : vector<16xf32>, vector<16xi32> -> vector<16xf32>
    %broadcast_in_dim3A_57 = arith.constant 3 : i32
    %broadcast_in_dim3A_58 = vector.broadcast %broadcast_in_dim3A_57 : i32 to vector<16xi32>
    %lt3A_59 = arith.constant 0 : i32
    %lt3A_60 = vector.broadcast %lt3A_59 : i32 to vector<16xi32>
    %lt3A_61 = arith.cmpi slt, %broadcast_in_dim3A_58, %lt3A_60 : vector<16xi32>
    %add3A_62 = arith.constant 16 : i32
    %add3A_63 = vector.broadcast %add3A_62 : i32 to vector<16xi32>
    %add3A_64 = arith.addi %broadcast_in_dim3A_58, %add3A_63 : vector<16xi32>
    %select_n3A_65 = arith.select %lt3A_61, %add3A_64, %broadcast_in_dim3A_58 : vector<16xi1>, vector<16xi32>
    %broadcast_in_dim3A_66 = vector.shape_cast %select_n3A_65 : vector<16xi32> to vector<16x1xi32>
    %gather3A_67 = vector.shape_cast %broadcast_in_dim3A_66 : vector<16x1xi32> to vector<16xi32>
    %gather3A_68 = tpu.dynamic_gather %get3A_23[%gather3A_67] in [0] : vector<16xf32>, vector<16xi32> -> vector<16xf32>
    %broadcast_in_dim3A_69 = arith.constant 4 : i32
    %broadcast_in_dim3A_70 = vector.broadcast %broadcast_in_dim3A_69 : i32 to vector<16xi32>
    %lt3A_71 = arith.constant 0 : i32
    %lt3A_72 = vector.broadcast %lt3A_71 : i32 to vector<16xi32>
    %lt3A_73 = arith.cmpi slt, %broadcast_in_dim3A_70, %lt3A_72 : vector<16xi32>
    %add3A_74 = arith.constant 16 : i32
    %add3A_75 = vector.broadcast %add3A_74 : i32 to vector<16xi32>
    %add3A_76 = arith.addi %broadcast_in_dim3A_70, %add3A_75 : vector<16xi32>
    %select_n3A_77 = arith.select %lt3A_73, %add3A_76, %broadcast_in_dim3A_70 : vector<16xi1>, vector<16xi32>
    %broadcast_in_dim3A_78 = vector.shape_cast %select_n3A_77 : vector<16xi32> to vector<16x1xi32>
    %gather3A_79 = vector.shape_cast %broadcast_in_dim3A_78 : vector<16x1xi32> to vector<16xi32>
    %gather3A_80 = tpu.dynamic_gather %get3A_23[%gather3A_79] in [0] : vector<16xf32>, vector<16xi32> -> vector<16xf32>
    %broadcast_in_dim3A_81 = arith.constant 5 : i32
    %broadcast_in_dim3A_82 = vector.broadcast %broadcast_in_dim3A_81 : i32 to vector<16xi32>
    %lt3A_83 = arith.constant 0 : i32
    %lt3A_84 = vector.broadcast %lt3A_83 : i32 to vector<16xi32>
    %lt3A_85 = arith.cmpi slt, %broadcast_in_dim3A_82, %lt3A_84 : vector<16xi32>
    %add3A_86 = arith.constant 16 : i32
    %add3A_87 = vector.broadcast %add3A_86 : i32 to vector<16xi32>
    %add3A_88 = arith.addi %broadcast_in_dim3A_82, %add3A_87 : vector<16xi32>
    %select_n3A_89 = arith.select %lt3A_85, %add3A_88, %broadcast_in_dim3A_82 : vector<16xi1>, vector<16xi32>
    %broadcast_in_dim3A_90 = vector.shape_cast %select_n3A_89 : vector<16xi32> to vector<16x1xi32>
    %gather3A_91 = vector.shape_cast %broadcast_in_dim3A_90 : vector<16x1xi32> to vector<16xi32>
    %gather3A_92 = tpu.dynamic_gather %get3A_23[%gather3A_91] in [0] : vector<16xf32>, vector<16xi32> -> vector<16xf32>
    %broadcast_in_dim3A_93 = arith.constant 6 : i32
    %broadcast_in_dim3A_94 = vector.broadcast %broadcast_in_dim3A_93 : i32 to vector<16xi32>
    %lt3A_95 = arith.constant 0 : i32
    %lt3A_96 = vector.broadcast %lt3A_95 : i32 to vector<16xi32>
    %lt3A_97 = arith.cmpi slt, %broadcast_in_dim3A_94, %lt3A_96 : vector<16xi32>
    %add3A_98 = arith.constant 16 : i32
    %add3A_99 = vector.broadcast %add3A_98 : i32 to vector<16xi32>
    %add3A_100 = arith.addi %broadcast_in_dim3A_94, %add3A_99 : vector<16xi32>
    %select_n3A_101 = arith.select %lt3A_97, %add3A_100, %broadcast_in_dim3A_94 : vector<16xi1>, vector<16xi32>
    %broadcast_in_dim3A_102 = vector.shape_cast %select_n3A_101 : vector<16xi32> to vector<16x1xi32>
    %gather3A_103 = vector.shape_cast %broadcast_in_dim3A_102 : vector<16x1xi32> to vector<16xi32>
    %gather3A_104 = tpu.dynamic_gather %get3A_23[%gather3A_103] in [0] : vector<16xf32>, vector<16xi32> -> vector<16xf32>
    %broadcast_in_dim3A_105 = arith.constant 7 : i32
    %broadcast_in_dim3A_106 = vector.broadcast %broadcast_in_dim3A_105 : i32 to vector<16xi32>
    %lt3A_107 = arith.constant 0 : i32
    %lt3A_108 = vector.broadcast %lt3A_107 : i32 to vector<16xi32>
    %lt3A_109 = arith.cmpi slt, %broadcast_in_dim3A_106, %lt3A_108 : vector<16xi32>
    %add3A_110 = arith.constant 16 : i32
    %add3A_111 = vector.broadcast %add3A_110 : i32 to vector<16xi32>
    %add3A_112 = arith.addi %broadcast_in_dim3A_106, %add3A_111 : vector<16xi32>
    %select_n3A_113 = arith.select %lt3A_109, %add3A_112, %broadcast_in_dim3A_106 : vector<16xi1>, vector<16xi32>
    %broadcast_in_dim3A_114 = vector.shape_cast %select_n3A_113 : vector<16xi32> to vector<16x1xi32>
    %gather3A_115 = vector.shape_cast %broadcast_in_dim3A_114 : vector<16x1xi32> to vector<16xi32>
    %gather3A_116 = tpu.dynamic_gather %get3A_23[%gather3A_115] in [0] : vector<16xf32>, vector<16xi32> -> vector<16xf32>
    %broadcast_in_dim3A_117 = arith.constant 8 : i32
    %broadcast_in_dim3A_118 = vector.broadcast %broadcast_in_dim3A_117 : i32 to vector<16xi32>
    %lt3A_119 = arith.constant 0 : i32
    %lt3A_120 = vector.broadcast %lt3A_119 : i32 to vector<16xi32>
    %lt3A_121 = arith.cmpi slt, %broadcast_in_dim3A_118, %lt3A_120 : vector<16xi32>
    %add3A_122 = arith.constant 16 : i32
    %add3A_123 = vector.broadcast %add3A_122 : i32 to vector<16xi32>
    %add3A_124 = arith.addi %broadcast_in_dim3A_118, %add3A_123 : vector<16xi32>
    %select_n3A_125 = arith.select %lt3A_121, %add3A_124, %broadcast_in_dim3A_118 : vector<16xi1>, vector<16xi32>
    %broadcast_in_dim3A_126 = vector.shape_cast %select_n3A_125 : vector<16xi32> to vector<16x1xi32>
    %gather3A_127 = vector.shape_cast %broadcast_in_dim3A_126 : vector<16x1xi32> to vector<16xi32>
    %gather3A_128 = tpu.dynamic_gather %get3A_23[%gather3A_127] in [0] : vector<16xf32>, vector<16xi32> -> vector<16xf32>
    %broadcast_in_dim3A_129 = arith.constant 9 : i32
    %broadcast_in_dim3A_130 = vector.broadcast %broadcast_in_dim3A_129 : i32 to vector<16xi32>
    %lt3A_131 = arith.constant 0 : i32
    %lt3A_132 = vector.broadcast %lt3A_131 : i32 to vector<16xi32>
    %lt3A_133 = arith.cmpi slt, %broadcast_in_dim3A_130, %lt3A_132 : vector<16xi32>
    %add3A_134 = arith.constant 16 : i32
    %add3A_135 = vector.broadcast %add3A_134 : i32 to vector<16xi32>
    %add3A_136 = arith.addi %broadcast_in_dim3A_130, %add3A_135 : vector<16xi32>
    %select_n3A_137 = arith.select %lt3A_133, %add3A_136, %broadcast_in_dim3A_130 : vector<16xi1>, vector<16xi32>
    %broadcast_in_dim3A_138 = vector.shape_cast %select_n3A_137 : vector<16xi32> to vector<16x1xi32>
    %gather3A_139 = vector.shape_cast %broadcast_in_dim3A_138 : vector<16x1xi32> to vector<16xi32>
    %gather3A_140 = tpu.dynamic_gather %get3A_23[%gather3A_139] in [0] : vector<16xf32>, vector<16xi32> -> vector<16xf32>
    %broadcast_in_dim3A_141 = arith.constant 10 : i32
    %broadcast_in_dim3A_142 = vector.broadcast %broadcast_in_dim3A_141 : i32 to vector<16xi32>
    %lt3A_143 = arith.constant 0 : i32
    %lt3A_144 = vector.broadcast %lt3A_143 : i32 to vector<16xi32>
    %lt3A_145 = arith.cmpi slt, %broadcast_in_dim3A_142, %lt3A_144 : vector<16xi32>
    %add3A_146 = arith.constant 16 : i32
    %add3A_147 = vector.broadcast %add3A_146 : i32 to vector<16xi32>
    %add3A_148 = arith.addi %broadcast_in_dim3A_142, %add3A_147 : vector<16xi32>
    %select_n3A_149 = arith.select %lt3A_145, %add3A_148, %broadcast_in_dim3A_142 : vector<16xi1>, vector<16xi32>
    %broadcast_in_dim3A_150 = vector.shape_cast %select_n3A_149 : vector<16xi32> to vector<16x1xi32>
    %gather3A_151 = vector.shape_cast %broadcast_in_dim3A_150 : vector<16x1xi32> to vector<16xi32>
    %gather3A_152 = tpu.dynamic_gather %get3A_23[%gather3A_151] in [0] : vector<16xf32>, vector<16xi32> -> vector<16xf32>
    %broadcast_in_dim3A_153 = arith.constant 11 : i32
    %broadcast_in_dim3A_154 = vector.broadcast %broadcast_in_dim3A_153 : i32 to vector<16xi32>
    %lt3A_155 = arith.constant 0 : i32
    %lt3A_156 = vector.broadcast %lt3A_155 : i32 to vector<16xi32>
    %lt3A_157 = arith.cmpi slt, %broadcast_in_dim3A_154, %lt3A_156 : vector<16xi32>
    %add3A_158 = arith.constant 16 : i32
    %add3A_159 = vector.broadcast %add3A_158 : i32 to vector<16xi32>
    %add3A_160 = arith.addi %broadcast_in_dim3A_154, %add3A_159 : vector<16xi32>
    %select_n3A_161 = arith.select %lt3A_157, %add3A_160, %broadcast_in_dim3A_154 : vector<16xi1>, vector<16xi32>
    %broadcast_in_dim3A_162 = vector.shape_cast %select_n3A_161 : vector<16xi32> to vector<16x1xi32>
    %gather3A_163 = vector.shape_cast %broadcast_in_dim3A_162 : vector<16x1xi32> to vector<16xi32>
    %gather3A_164 = tpu.dynamic_gather %get3A_23[%gather3A_163] in [0] : vector<16xf32>, vector<16xi32> -> vector<16xf32>
    %broadcast_in_dim3A_165 = arith.constant 12 : i32
    %broadcast_in_dim3A_166 = vector.broadcast %broadcast_in_dim3A_165 : i32 to vector<16xi32>
    %lt3A_167 = arith.constant 0 : i32
    %lt3A_168 = vector.broadcast %lt3A_167 : i32 to vector<16xi32>
    %lt3A_169 = arith.cmpi slt, %broadcast_in_dim3A_166, %lt3A_168 : vector<16xi32>
    %add3A_170 = arith.constant 16 : i32
    %add3A_171 = vector.broadcast %add3A_170 : i32 to vector<16xi32>
    %add3A_172 = arith.addi %broadcast_in_dim3A_166, %add3A_171 : vector<16xi32>
    %select_n3A_173 = arith.select %lt3A_169, %add3A_172, %broadcast_in_dim3A_166 : vector<16xi1>, vector<16xi32>
    %broadcast_in_dim3A_174 = vector.shape_cast %select_n3A_173 : vector<16xi32> to vector<16x1xi32>
    %gather3A_175 = vector.shape_cast %broadcast_in_dim3A_174 : vector<16x1xi32> to vector<16xi32>
    %gather3A_176 = tpu.dynamic_gather %get3A_23[%gather3A_175] in [0] : vector<16xf32>, vector<16xi32> -> vector<16xf32>
    %broadcast_in_dim3A_177 = arith.constant 13 : i32
    %broadcast_in_dim3A_178 = vector.broadcast %broadcast_in_dim3A_177 : i32 to vector<16xi32>
    %lt3A_179 = arith.constant 0 : i32
    %lt3A_180 = vector.broadcast %lt3A_179 : i32 to vector<16xi32>
    %lt3A_181 = arith.cmpi slt, %broadcast_in_dim3A_178, %lt3A_180 : vector<16xi32>
    %add3A_182 = arith.constant 16 : i32
    %add3A_183 = vector.broadcast %add3A_182 : i32 to vector<16xi32>
    %add3A_184 = arith.addi %broadcast_in_dim3A_178, %add3A_183 : vector<16xi32>
    %select_n3A_185 = arith.select %lt3A_181, %add3A_184, %broadcast_in_dim3A_178 : vector<16xi1>, vector<16xi32>
    %broadcast_in_dim3A_186 = vector.shape_cast %select_n3A_185 : vector<16xi32> to vector<16x1xi32>
    %gather3A_187 = vector.shape_cast %broadcast_in_dim3A_186 : vector<16x1xi32> to vector<16xi32>
    %gather3A_188 = tpu.dynamic_gather %get3A_23[%gather3A_187] in [0] : vector<16xf32>, vector<16xi32> -> vector<16xf32>
    %gt3A = arith.constant 0 : i32
    %gt3A_189 = arith.cmpi sgt, %select_n3A, %gt3A : i32
    %convert_element_type3A = arith.extui %gt3A_189 : i1 to i32
    %cond3A = arith.constant 0 : i32
    %cond3A_190 = arith.cmpi ne, %convert_element_type3A, %cond3A : i32
    scf.if %cond3A_190 {
      %add3A_197 = arith.constant 0 : i32
      %add3A_198 = arith.addi %add3A_197, %add3A : i32
      %mul3A_199 = arith.constant 3200 : i32
      %mul3A_200 = arith.muli %add3A_198, %mul3A_199 : i32
      %dma_start3A = arith.constant 0 : i32
      %dma_start3A_201 = tpu.memref_slice %arg2[%dma_start3A, %mul3A_200] : memref<13x3200000xf32, #tpu.memory_space<hbm>> -> memref<8x3200xf32, #tpu.memory_space<hbm>>
      %dma_start3A_202 = arith.constant 0 : i32
      %dma_start3A_203 = tpu.memref_slice %arg2[%dma_start3A_202, %mul3A_200] : memref<13x3200000xf32, #tpu.memory_space<hbm>> -> memref<8x3200xf32, #tpu.memory_space<hbm>>
      tpu.enqueue_dma source(%dma_start3A_203 : memref<8x3200xf32, #tpu.memory_space<hbm>>) target(%arg5 : memref<8x3200xf32, #tpu.memory_space<vmem>>) target_semaphore(%arg11 : memref<!tpu.dma_semaphore, #tpu.memory_space<semaphore_mem>>)
      %dma_start3A_204 = arith.constant 8 : i32
      %dma_start3A_205 = tpu.memref_slice %arg2[%dma_start3A_204, %mul3A_200] : memref<13x3200000xf32, #tpu.memory_space<hbm>> -> memref<5x3200xf32, #tpu.memory_space<hbm>>
      %dma_start3A_206 = arith.constant 8 : i32
      %dma_start3A_207 = tpu.memref_slice %arg2[%dma_start3A_206, %mul3A_200] : memref<13x3200000xf32, #tpu.memory_space<hbm>> -> memref<5x3200xf32, #tpu.memory_space<hbm>>
      tpu.enqueue_dma source(%dma_start3A_207 : memref<5x3200xf32, #tpu.memory_space<hbm>>) target(%arg6 : memref<5x3200xf32, #tpu.memory_space<vmem>>) target_semaphore(%arg13 : memref<!tpu.dma_semaphore, #tpu.memory_space<semaphore_mem>>)
    } else {
    }
    %scan3A = arith.constant 0 : i32
    %scan3A_191 = arith.constant 0 : i32
    %scan3A_192 = arith.constant 7 : i32
    %scan3A_193 = arith.addi %scan3A_191, %scan3A_192 : i32
    %scan3A_194 = arith.constant 1 : i32
    %scan3A_195 = scf.for %scan3A_197 = %scan3A_191 to %scan3A_193 step %scan3A_194 iter_args(%scan3A_198 = %scan3A) -> (i32)  : i32 {
      %mul3A_199 = arith.constant 2 : i32
      %mul3A_200 = arith.muli %scan3A_197, %mul3A_199 : i32
      %add3A_201 = arith.constant 0 : i32
      %add3A_202 = arith.addi %mul3A_200, %add3A_201 : i32
      %add3A_203 = arith.constant 1 : i32
      %add3A_204 = arith.addi %add3A_202, %add3A_203 : i32
      %lt3A_205 = arith.cmpi slt, %add3A_204, %select_n3A : i32
      %convert_element_type3A_206 = arith.extui %lt3A_205 : i1 to i32
      %cond3A_207 = arith.constant 0 : i32
      %cond3A_208 = arith.cmpi ne, %convert_element_type3A_206, %cond3A_207 : i32
      scf.if %cond3A_208 {
        %add3A_228 = arith.constant 1 : i32
        %add3A_229 = arith.addi %add3A_202, %add3A_228 : i32
        %mul3A_230 = arith.constant 32 : i32
        %mul3A_231 = arith.muli %add3A_229, %mul3A_230 : i32
        %add3A_232 = arith.addi %mul3A_231, %add3A : i32
        %mul3A_233 = arith.constant 3200 : i32
        %mul3A_234 = arith.muli %add3A_232, %mul3A_233 : i32
        %dma_start3A = arith.constant 0 : i32
        %dma_start3A_235 = tpu.memref_slice %arg2[%dma_start3A, %mul3A_234] : memref<13x3200000xf32, #tpu.memory_space<hbm>> -> memref<8x3200xf32, #tpu.memory_space<hbm>>
        %dma_start3A_236 = arith.constant 0 : i32
        %dma_start3A_237 = tpu.memref_slice %arg2[%dma_start3A_236, %mul3A_234] : memref<13x3200000xf32, #tpu.memory_space<hbm>> -> memref<8x3200xf32, #tpu.memory_space<hbm>>
        tpu.enqueue_dma source(%dma_start3A_237 : memref<8x3200xf32, #tpu.memory_space<hbm>>) target(%arg7 : memref<8x3200xf32, #tpu.memory_space<vmem>>) target_semaphore(%arg12 : memref<!tpu.dma_semaphore, #tpu.memory_space<semaphore_mem>>)
        %dma_start3A_238 = arith.constant 8 : i32
        %dma_start3A_239 = tpu.memref_slice %arg2[%dma_start3A_238, %mul3A_234] : memref<13x3200000xf32, #tpu.memory_space<hbm>> -> memref<5x3200xf32, #tpu.memory_space<hbm>>
        %dma_start3A_240 = arith.constant 8 : i32
        %dma_start3A_241 = tpu.memref_slice %arg2[%dma_start3A_240, %mul3A_234] : memref<13x3200000xf32, #tpu.memory_space<hbm>> -> memref<5x3200xf32, #tpu.memory_space<hbm>>
        tpu.enqueue_dma source(%dma_start3A_241 : memref<5x3200xf32, #tpu.memory_space<hbm>>) target(%arg8 : memref<5x3200xf32, #tpu.memory_space<vmem>>) target_semaphore(%arg14 : memref<!tpu.dma_semaphore, #tpu.memory_space<semaphore_mem>>)
      } else {
      }
      %lt3A_209 = arith.cmpi slt, %add3A_202, %select_n3A : i32
      %convert_element_type3A_210 = arith.extui %lt3A_209 : i1 to i32
      %cond3A_211 = arith.constant 0 : i32
      %cond3A_212 = arith.cmpi ne, %convert_element_type3A_210, %cond3A_211 : i32
      scf.if %cond3A_212 {
        %mul3A_228 = arith.constant 32 : i32
        %mul3A_229 = arith.muli %add3A_202, %mul3A_228 : i32
        %add3A_230 = arith.addi %mul3A_229, %add3A : i32
        %mul3A_231 = arith.constant 3200 : i32
        %mul3A_232 = arith.muli %add3A_230, %mul3A_231 : i32
        %dma_wait3A = arith.constant 0 : i32
        %dma_wait3A_233 = tpu.memref_slice %arg2[%dma_wait3A, %mul3A_232] : memref<13x3200000xf32, #tpu.memory_space<hbm>> -> memref<8x3200xf32, #tpu.memory_space<hbm>>
        %dma_wait3A_234 = arith.constant 0 : i32
        %dma_wait3A_235 = tpu.memref_slice %arg2[%dma_wait3A_234, %mul3A_232] : memref<13x3200000xf32, #tpu.memory_space<hbm>> -> memref<8x3200xf32, #tpu.memory_space<hbm>>
        tpu.wait_dma2 semaphore(%arg11 : memref<!tpu.dma_semaphore, #tpu.memory_space<semaphore_mem>>) src(%dma_wait3A_235 : memref<8x3200xf32, #tpu.memory_space<hbm>>) dst(%arg5 : memref<8x3200xf32, #tpu.memory_space<vmem>>)
        %dma_wait3A_236 = arith.constant 8 : i32
        %dma_wait3A_237 = tpu.memref_slice %arg2[%dma_wait3A_236, %mul3A_232] : memref<13x3200000xf32, #tpu.memory_space<hbm>> -> memref<5x3200xf32, #tpu.memory_space<hbm>>
        %dma_wait3A_238 = arith.constant 8 : i32
        %dma_wait3A_239 = tpu.memref_slice %arg2[%dma_wait3A_238, %mul3A_232] : memref<13x3200000xf32, #tpu.memory_space<hbm>> -> memref<5x3200xf32, #tpu.memory_space<hbm>>
        tpu.wait_dma2 semaphore(%arg13 : memref<!tpu.dma_semaphore, #tpu.memory_space<semaphore_mem>>) src(%dma_wait3A_239 : memref<5x3200xf32, #tpu.memory_space<hbm>>) dst(%arg6 : memref<5x3200xf32, #tpu.memory_space<vmem>>)
        %parallel_loop3A = arith.constant 0 : i32
        %parallel_loop3A_240 = arith.constant 3200 : i32
        %parallel_loop3A_241 = arith.constant 16 : i32
        scf.for %parallel_loop3A_247 = %parallel_loop3A to %parallel_loop3A_240 step %parallel_loop3A_241  : i32 {
          %parallel_loop3A_248 = arith.constant 0 : i32
          %parallel_loop3A_249 = arith.index_cast %parallel_loop3A_248 : i32 to index
          %parallel_loop3A_250 = arith.index_cast %parallel_loop3A_247 : i32 to index
          %parallel_loop3A_251 = tpu.vector_load %arg5[%parallel_loop3A_249, %parallel_loop3A_250] {strides = array<i32>} : memref<8x3200xf32, #tpu.memory_space<vmem>>, vector<16xf32>,
          %parallel_loop3A_252 = arith.mulf %parallel_loop3A_251, %gather3A_32 : vector<16xf32>
          %parallel_loop3A_253 = arith.addf %gather3A_188, %parallel_loop3A_252 : vector<16xf32>
          %parallel_loop3A_254 = arith.constant 1 : i32
          %parallel_loop3A_255 = arith.index_cast %parallel_loop3A_254 : i32 to index
          %parallel_loop3A_256 = arith.index_cast %parallel_loop3A_247 : i32 to index
          %parallel_loop3A_257 = tpu.vector_load %arg5[%parallel_loop3A_255, %parallel_loop3A_256] {strides = array<i32>} : memref<8x3200xf32, #tpu.memory_space<vmem>>, vector<16xf32>,
          %parallel_loop3A_258 = arith.mulf %parallel_loop3A_257, %gather3A_44 : vector<16xf32>
          %parallel_loop3A_259 = arith.addf %parallel_loop3A_253, %parallel_loop3A_258 : vector<16xf32>
          %parallel_loop3A_260 = arith.constant 2 : i32
          %parallel_loop3A_261 = arith.index_cast %parallel_loop3A_260 : i32 to index
          %parallel_loop3A_262 = arith.index_cast %parallel_loop3A_247 : i32 to index
          %parallel_loop3A_263 = tpu.vector_load %arg5[%parallel_loop3A_261, %parallel_loop3A_262] {strides = array<i32>} : memref<8x3200xf32, #tpu.memory_space<vmem>>, vector<16xf32>,
          %parallel_loop3A_264 = arith.mulf %parallel_loop3A_263, %gather3A_56 : vector<16xf32>
          %parallel_loop3A_265 = arith.addf %parallel_loop3A_259, %parallel_loop3A_264 : vector<16xf32>
          %parallel_loop3A_266 = arith.constant 3 : i32
          %parallel_loop3A_267 = arith.index_cast %parallel_loop3A_266 : i32 to index
          %parallel_loop3A_268 = arith.index_cast %parallel_loop3A_247 : i32 to index
          %parallel_loop3A_269 = tpu.vector_load %arg5[%parallel_loop3A_267, %parallel_loop3A_268] {strides = array<i32>} : memref<8x3200xf32, #tpu.memory_space<vmem>>, vector<16xf32>,
          %parallel_loop3A_270 = arith.mulf %parallel_loop3A_269, %gather3A_68 : vector<16xf32>
          %parallel_loop3A_271 = arith.addf %parallel_loop3A_265, %parallel_loop3A_270 : vector<16xf32>
          %parallel_loop3A_272 = arith.constant 4 : i32
          %parallel_loop3A_273 = arith.index_cast %parallel_loop3A_272 : i32 to index
          %parallel_loop3A_274 = arith.index_cast %parallel_loop3A_247 : i32 to index
          %parallel_loop3A_275 = tpu.vector_load %arg5[%parallel_loop3A_273, %parallel_loop3A_274] {strides = array<i32>} : memref<8x3200xf32, #tpu.memory_space<vmem>>, vector<16xf32>,
          %parallel_loop3A_276 = arith.mulf %parallel_loop3A_275, %gather3A_80 : vector<16xf32>
          %parallel_loop3A_277 = arith.addf %parallel_loop3A_271, %parallel_loop3A_276 : vector<16xf32>
          %parallel_loop3A_278 = arith.constant 5 : i32
          %parallel_loop3A_279 = arith.index_cast %parallel_loop3A_278 : i32 to index
          %parallel_loop3A_280 = arith.index_cast %parallel_loop3A_247 : i32 to index
          %parallel_loop3A_281 = tpu.vector_load %arg5[%parallel_loop3A_279, %parallel_loop3A_280] {strides = array<i32>} : memref<8x3200xf32, #tpu.memory_space<vmem>>, vector<16xf32>,
          %parallel_loop3A_282 = arith.mulf %parallel_loop3A_281, %gather3A_92 : vector<16xf32>
          %parallel_loop3A_283 = arith.addf %parallel_loop3A_277, %parallel_loop3A_282 : vector<16xf32>
          %parallel_loop3A_284 = arith.constant 6 : i32
          %parallel_loop3A_285 = arith.index_cast %parallel_loop3A_284 : i32 to index
          %parallel_loop3A_286 = arith.index_cast %parallel_loop3A_247 : i32 to index
          %parallel_loop3A_287 = tpu.vector_load %arg5[%parallel_loop3A_285, %parallel_loop3A_286] {strides = array<i32>} : memref<8x3200xf32, #tpu.memory_space<vmem>>, vector<16xf32>,
          %parallel_loop3A_288 = arith.mulf %parallel_loop3A_287, %gather3A_104 : vector<16xf32>
          %parallel_loop3A_289 = arith.addf %parallel_loop3A_283, %parallel_loop3A_288 : vector<16xf32>
          %parallel_loop3A_290 = arith.constant 7 : i32
          %parallel_loop3A_291 = arith.index_cast %parallel_loop3A_290 : i32 to index
          %parallel_loop3A_292 = arith.index_cast %parallel_loop3A_247 : i32 to index
          %parallel_loop3A_293 = tpu.vector_load %arg5[%parallel_loop3A_291, %parallel_loop3A_292] {strides = array<i32>} : memref<8x3200xf32, #tpu.memory_space<vmem>>, vector<16xf32>,
          %parallel_loop3A_294 = arith.mulf %parallel_loop3A_293, %gather3A_116 : vector<16xf32>
          %parallel_loop3A_295 = arith.addf %parallel_loop3A_289, %parallel_loop3A_294 : vector<16xf32>
          %parallel_loop3A_296 = arith.constant 0 : i32
          %parallel_loop3A_297 = arith.index_cast %parallel_loop3A_296 : i32 to index
          %parallel_loop3A_298 = arith.index_cast %parallel_loop3A_247 : i32 to index
          %parallel_loop3A_299 = tpu.vector_load %arg6[%parallel_loop3A_297, %parallel_loop3A_298] {strides = array<i32>} : memref<5x3200xf32, #tpu.memory_space<vmem>>, vector<16xf32>,
          %parallel_loop3A_300 = arith.mulf %parallel_loop3A_299, %gather3A_128 : vector<16xf32>
          %parallel_loop3A_301 = arith.addf %parallel_loop3A_295, %parallel_loop3A_300 : vector<16xf32>
          %parallel_loop3A_302 = arith.constant 1 : i32
          %parallel_loop3A_303 = arith.index_cast %parallel_loop3A_302 : i32 to index
          %parallel_loop3A_304 = arith.index_cast %parallel_loop3A_247 : i32 to index
          %parallel_loop3A_305 = tpu.vector_load %arg6[%parallel_loop3A_303, %parallel_loop3A_304] {strides = array<i32>} : memref<5x3200xf32, #tpu.memory_space<vmem>>, vector<16xf32>,
          %parallel_loop3A_306 = arith.mulf %parallel_loop3A_305, %gather3A_140 : vector<16xf32>
          %parallel_loop3A_307 = arith.addf %parallel_loop3A_301, %parallel_loop3A_306 : vector<16xf32>
          %parallel_loop3A_308 = arith.constant 2 : i32
          %parallel_loop3A_309 = arith.index_cast %parallel_loop3A_308 : i32 to index
          %parallel_loop3A_310 = arith.index_cast %parallel_loop3A_247 : i32 to index
          %parallel_loop3A_311 = tpu.vector_load %arg6[%parallel_loop3A_309, %parallel_loop3A_310] {strides = array<i32>} : memref<5x3200xf32, #tpu.memory_space<vmem>>, vector<16xf32>,
          %parallel_loop3A_312 = arith.mulf %parallel_loop3A_311, %gather3A_152 : vector<16xf32>
          %parallel_loop3A_313 = arith.addf %parallel_loop3A_307, %parallel_loop3A_312 : vector<16xf32>
          %parallel_loop3A_314 = arith.constant 3 : i32
          %parallel_loop3A_315 = arith.index_cast %parallel_loop3A_314 : i32 to index
          %parallel_loop3A_316 = arith.index_cast %parallel_loop3A_247 : i32 to index
          %parallel_loop3A_317 = tpu.vector_load %arg6[%parallel_loop3A_315, %parallel_loop3A_316] {strides = array<i32>} : memref<5x3200xf32, #tpu.memory_space<vmem>>, vector<16xf32>,
          %parallel_loop3A_318 = arith.mulf %parallel_loop3A_317, %gather3A_164 : vector<16xf32>
          %parallel_loop3A_319 = arith.addf %parallel_loop3A_313, %parallel_loop3A_318 : vector<16xf32>
          %parallel_loop3A_320 = arith.constant 4 : i32
          %parallel_loop3A_321 = arith.index_cast %parallel_loop3A_320 : i32 to index
          %parallel_loop3A_322 = arith.index_cast %parallel_loop3A_247 : i32 to index
          %parallel_loop3A_323 = tpu.vector_load %arg6[%parallel_loop3A_321, %parallel_loop3A_322] {strides = array<i32>} : memref<5x3200xf32, #tpu.memory_space<vmem>>, vector<16xf32>,
          %parallel_loop3A_324 = arith.mulf %parallel_loop3A_323, %gather3A_176 : vector<16xf32>
          %parallel_loop3A_325 = arith.addf %parallel_loop3A_319, %parallel_loop3A_324 : vector<16xf32>
          %parallel_loop3A_326 = arith.index_cast %parallel_loop3A_247 : i32 to index
          %parallel_loop3A_327 = tpu.vector_load %arg9[%parallel_loop3A_326] {strides = array<i32>} : memref<3200xf32, #tpu.memory_space<vmem>>, vector<16xf32>,
          tpu.vector_store %arg9[%parallel_loop3A_326], %parallel_loop3A_325 {strides = array<i32>} : memref<3200xf32, #tpu.memory_space<vmem>>, vector<16xf32>,
        } {sc.loop_unroll_factor = 4 : i64, sc.parallel_access}
        %mul3A_242 = arith.constant 32 : i32
        %mul3A_243 = arith.muli %add3A_202, %mul3A_242 : i32
        %add3A_244 = arith.addi %mul3A_243, %add3A : i32
        %mul3A_245 = arith.constant 3200 : i32
        %mul3A_246 = arith.muli %add3A_244, %mul3A_245 : i32
        "tpu.region"() ({
          %run_scoped3A = tpu.sem_alloc : memref<!tpu.dma_semaphore, #tpu.memory_space<semaphore_mem>>
          %dma_start3A = tpu.memref_slice %arg4[%mul3A_246] : memref<1280000xf32, #tpu.memory_space<hbm>> -> memref<3200xf32, #tpu.memory_space<hbm>>
          %dma_start3A_247 = tpu.memref_slice %arg4[%mul3A_246] : memref<1280000xf32, #tpu.memory_space<hbm>> -> memref<3200xf32, #tpu.memory_space<hbm>>
          tpu.enqueue_dma source(%arg9 : memref<3200xf32, #tpu.memory_space<vmem>>) target(%dma_start3A_247 : memref<3200xf32, #tpu.memory_space<hbm>>) target_semaphore(%run_scoped3A : memref<!tpu.dma_semaphore, #tpu.memory_space<semaphore_mem>>)
          %dma_wait3A_248 = tpu.memref_slice %arg4[%mul3A_246] : memref<1280000xf32, #tpu.memory_space<hbm>> -> memref<3200xf32, #tpu.memory_space<hbm>>
          %dma_wait3A_249 = tpu.memref_slice %arg4[%mul3A_246] : memref<1280000xf32, #tpu.memory_space<hbm>> -> memref<3200xf32, #tpu.memory_space<hbm>>
          tpu.wait_dma2 semaphore(%run_scoped3A : memref<!tpu.dma_semaphore, #tpu.memory_space<semaphore_mem>>) src(%arg9 : memref<3200xf32, #tpu.memory_space<vmem>>) dst(%dma_wait3A_249 : memref<3200xf32, #tpu.memory_space<hbm>>)
          tpu.yield
        }) : () -> ()
      } else {
      }
      %mul3A_213 = arith.constant 2 : i32
      %mul3A_214 = arith.muli %scan3A_197, %mul3A_213 : i32
      %add3A_215 = arith.constant 1 : i32
      %add3A_216 = arith.addi %mul3A_214, %add3A_215 : i32
      %add3A_217 = arith.constant 1 : i32
      %add3A_218 = arith.addi %add3A_216, %add3A_217 : i32
      %lt3A_219 = arith.cmpi slt, %add3A_218, %select_n3A : i32
      %convert_element_type3A_220 = arith.extui %lt3A_219 : i1 to i32
      %cond3A_221 = arith.constant 0 : i32
      %cond3A_222 = arith.cmpi ne, %convert_element_type3A_220, %cond3A_221 : i32
      scf.if %cond3A_222 {
        %add3A_228 = arith.constant 1 : i32
        %add3A_229 = arith.addi %add3A_216, %add3A_228 : i32
        %mul3A_230 = arith.constant 32 : i32
        %mul3A_231 = arith.muli %add3A_229, %mul3A_230 : i32
        %add3A_232 = arith.addi %mul3A_231, %add3A : i32
        %mul3A_233 = arith.constant 3200 : i32
        %mul3A_234 = arith.muli %add3A_232, %mul3A_233 : i32
        %dma_start3A = arith.constant 0 : i32
        %dma_start3A_235 = tpu.memref_slice %arg2[%dma_start3A, %mul3A_234] : memref<13x3200000xf32, #tpu.memory_space<hbm>> -> memref<8x3200xf32, #tpu.memory_space<hbm>>
        %dma_start3A_236 = arith.constant 0 : i32
        %dma_start3A_237 = tpu.memref_slice %arg2[%dma_start3A_236, %mul3A_234] : memref<13x3200000xf32, #tpu.memory_space<hbm>> -> memref<8x3200xf32, #tpu.memory_space<hbm>>
        tpu.enqueue_dma source(%dma_start3A_237 : memref<8x3200xf32, #tpu.memory_space<hbm>>) target(%arg5 : memref<8x3200xf32, #tpu.memory_space<vmem>>) target_semaphore(%arg11 : memref<!tpu.dma_semaphore, #tpu.memory_space<semaphore_mem>>)
        %dma_start3A_238 = arith.constant 8 : i32
        %dma_start3A_239 = tpu.memref_slice %arg2[%dma_start3A_238, %mul3A_234] : memref<13x3200000xf32, #tpu.memory_space<hbm>> -> memref<5x3200xf32, #tpu.memory_space<hbm>>
        %dma_start3A_240 = arith.constant 8 : i32
        %dma_start3A_241 = tpu.memref_slice %arg2[%dma_start3A_240, %mul3A_234] : memref<13x3200000xf32, #tpu.memory_space<hbm>> -> memref<5x3200xf32, #tpu.memory_space<hbm>>
        tpu.enqueue_dma source(%dma_start3A_241 : memref<5x3200xf32, #tpu.memory_space<hbm>>) target(%arg6 : memref<5x3200xf32, #tpu.memory_space<vmem>>) target_semaphore(%arg13 : memref<!tpu.dma_semaphore, #tpu.memory_space<semaphore_mem>>)
      } else {
      }
      %lt3A_223 = arith.cmpi slt, %add3A_216, %select_n3A : i32
      %convert_element_type3A_224 = arith.extui %lt3A_223 : i1 to i32
      %cond3A_225 = arith.constant 0 : i32
      %cond3A_226 = arith.cmpi ne, %convert_element_type3A_224, %cond3A_225 : i32
      scf.if %cond3A_226 {
        %mul3A_228 = arith.constant 32 : i32
        %mul3A_229 = arith.muli %add3A_216, %mul3A_228 : i32
        %add3A_230 = arith.addi %mul3A_229, %add3A : i32
        %mul3A_231 = arith.constant 3200 : i32
        %mul3A_232 = arith.muli %add3A_230, %mul3A_231 : i32
        %dma_wait3A = arith.constant 0 : i32
        %dma_wait3A_233 = tpu.memref_slice %arg2[%dma_wait3A, %mul3A_232] : memref<13x3200000xf32, #tpu.memory_space<hbm>> -> memref<8x3200xf32, #tpu.memory_space<hbm>>
        %dma_wait3A_234 = arith.constant 0 : i32
        %dma_wait3A_235 = tpu.memref_slice %arg2[%dma_wait3A_234, %mul3A_232] : memref<13x3200000xf32, #tpu.memory_space<hbm>> -> memref<8x3200xf32, #tpu.memory_space<hbm>>
        tpu.wait_dma2 semaphore(%arg12 : memref<!tpu.dma_semaphore, #tpu.memory_space<semaphore_mem>>) src(%dma_wait3A_235 : memref<8x3200xf32, #tpu.memory_space<hbm>>) dst(%arg7 : memref<8x3200xf32, #tpu.memory_space<vmem>>)
        %dma_wait3A_236 = arith.constant 8 : i32
        %dma_wait3A_237 = tpu.memref_slice %arg2[%dma_wait3A_236, %mul3A_232] : memref<13x3200000xf32, #tpu.memory_space<hbm>> -> memref<5x3200xf32, #tpu.memory_space<hbm>>
        %dma_wait3A_238 = arith.constant 8 : i32
        %dma_wait3A_239 = tpu.memref_slice %arg2[%dma_wait3A_238, %mul3A_232] : memref<13x3200000xf32, #tpu.memory_space<hbm>> -> memref<5x3200xf32, #tpu.memory_space<hbm>>
        tpu.wait_dma2 semaphore(%arg14 : memref<!tpu.dma_semaphore, #tpu.memory_space<semaphore_mem>>) src(%dma_wait3A_239 : memref<5x3200xf32, #tpu.memory_space<hbm>>) dst(%arg8 : memref<5x3200xf32, #tpu.memory_space<vmem>>)
        %parallel_loop3A = arith.constant 0 : i32
        %parallel_loop3A_240 = arith.constant 3200 : i32
        %parallel_loop3A_241 = arith.constant 16 : i32
        scf.for %parallel_loop3A_247 = %parallel_loop3A to %parallel_loop3A_240 step %parallel_loop3A_241  : i32 {
          %parallel_loop3A_248 = arith.constant 0 : i32
          %parallel_loop3A_249 = arith.index_cast %parallel_loop3A_248 : i32 to index
          %parallel_loop3A_250 = arith.index_cast %parallel_loop3A_247 : i32 to index
          %parallel_loop3A_251 = tpu.vector_load %arg7[%parallel_loop3A_249, %parallel_loop3A_250] {strides = array<i32>} : memref<8x3200xf32, #tpu.memory_space<vmem>>, vector<16xf32>,
          %parallel_loop3A_252 = arith.mulf %parallel_loop3A_251, %gather3A_32 : vector<16xf32>
          %parallel_loop3A_253 = arith.addf %gather3A_188, %parallel_loop3A_252 : vector<16xf32>
          %parallel_loop3A_254 = arith.constant 1 : i32
          %parallel_loop3A_255 = arith.index_cast %parallel_loop3A_254 : i32 to index
          %parallel_loop3A_256 = arith.index_cast %parallel_loop3A_247 : i32 to index
          %parallel_loop3A_257 = tpu.vector_load %arg7[%parallel_loop3A_255, %parallel_loop3A_256] {strides = array<i32>} : memref<8x3200xf32, #tpu.memory_space<vmem>>, vector<16xf32>,
          %parallel_loop3A_258 = arith.mulf %parallel_loop3A_257, %gather3A_44 : vector<16xf32>
          %parallel_loop3A_259 = arith.addf %parallel_loop3A_253, %parallel_loop3A_258 : vector<16xf32>
          %parallel_loop3A_260 = arith.constant 2 : i32
          %parallel_loop3A_261 = arith.index_cast %parallel_loop3A_260 : i32 to index
          %parallel_loop3A_262 = arith.index_cast %parallel_loop3A_247 : i32 to index
          %parallel_loop3A_263 = tpu.vector_load %arg7[%parallel_loop3A_261, %parallel_loop3A_262] {strides = array<i32>} : memref<8x3200xf32, #tpu.memory_space<vmem>>, vector<16xf32>,
          %parallel_loop3A_264 = arith.mulf %parallel_loop3A_263, %gather3A_56 : vector<16xf32>
          %parallel_loop3A_265 = arith.addf %parallel_loop3A_259, %parallel_loop3A_264 : vector<16xf32>
          %parallel_loop3A_266 = arith.constant 3 : i32
          %parallel_loop3A_267 = arith.index_cast %parallel_loop3A_266 : i32 to index
          %parallel_loop3A_268 = arith.index_cast %parallel_loop3A_247 : i32 to index
          %parallel_loop3A_269 = tpu.vector_load %arg7[%parallel_loop3A_267, %parallel_loop3A_268] {strides = array<i32>} : memref<8x3200xf32, #tpu.memory_space<vmem>>, vector<16xf32>,
          %parallel_loop3A_270 = arith.mulf %parallel_loop3A_269, %gather3A_68 : vector<16xf32>
          %parallel_loop3A_271 = arith.addf %parallel_loop3A_265, %parallel_loop3A_270 : vector<16xf32>
          %parallel_loop3A_272 = arith.constant 4 : i32
          %parallel_loop3A_273 = arith.index_cast %parallel_loop3A_272 : i32 to index
          %parallel_loop3A_274 = arith.index_cast %parallel_loop3A_247 : i32 to index
          %parallel_loop3A_275 = tpu.vector_load %arg7[%parallel_loop3A_273, %parallel_loop3A_274] {strides = array<i32>} : memref<8x3200xf32, #tpu.memory_space<vmem>>, vector<16xf32>,
          %parallel_loop3A_276 = arith.mulf %parallel_loop3A_275, %gather3A_80 : vector<16xf32>
          %parallel_loop3A_277 = arith.addf %parallel_loop3A_271, %parallel_loop3A_276 : vector<16xf32>
          %parallel_loop3A_278 = arith.constant 5 : i32
          %parallel_loop3A_279 = arith.index_cast %parallel_loop3A_278 : i32 to index
          %parallel_loop3A_280 = arith.index_cast %parallel_loop3A_247 : i32 to index
          %parallel_loop3A_281 = tpu.vector_load %arg7[%parallel_loop3A_279, %parallel_loop3A_280] {strides = array<i32>} : memref<8x3200xf32, #tpu.memory_space<vmem>>, vector<16xf32>,
          %parallel_loop3A_282 = arith.mulf %parallel_loop3A_281, %gather3A_92 : vector<16xf32>
          %parallel_loop3A_283 = arith.addf %parallel_loop3A_277, %parallel_loop3A_282 : vector<16xf32>
          %parallel_loop3A_284 = arith.constant 6 : i32
          %parallel_loop3A_285 = arith.index_cast %parallel_loop3A_284 : i32 to index
          %parallel_loop3A_286 = arith.index_cast %parallel_loop3A_247 : i32 to index
          %parallel_loop3A_287 = tpu.vector_load %arg7[%parallel_loop3A_285, %parallel_loop3A_286] {strides = array<i32>} : memref<8x3200xf32, #tpu.memory_space<vmem>>, vector<16xf32>,
          %parallel_loop3A_288 = arith.mulf %parallel_loop3A_287, %gather3A_104 : vector<16xf32>
          %parallel_loop3A_289 = arith.addf %parallel_loop3A_283, %parallel_loop3A_288 : vector<16xf32>
          %parallel_loop3A_290 = arith.constant 7 : i32
          %parallel_loop3A_291 = arith.index_cast %parallel_loop3A_290 : i32 to index
          %parallel_loop3A_292 = arith.index_cast %parallel_loop3A_247 : i32 to index
          %parallel_loop3A_293 = tpu.vector_load %arg7[%parallel_loop3A_291, %parallel_loop3A_292] {strides = array<i32>} : memref<8x3200xf32, #tpu.memory_space<vmem>>, vector<16xf32>,
          %parallel_loop3A_294 = arith.mulf %parallel_loop3A_293, %gather3A_116 : vector<16xf32>
          %parallel_loop3A_295 = arith.addf %parallel_loop3A_289, %parallel_loop3A_294 : vector<16xf32>
          %parallel_loop3A_296 = arith.constant 0 : i32
          %parallel_loop3A_297 = arith.index_cast %parallel_loop3A_296 : i32 to index
          %parallel_loop3A_298 = arith.index_cast %parallel_loop3A_247 : i32 to index
          %parallel_loop3A_299 = tpu.vector_load %arg8[%parallel_loop3A_297, %parallel_loop3A_298] {strides = array<i32>} : memref<5x3200xf32, #tpu.memory_space<vmem>>, vector<16xf32>,
          %parallel_loop3A_300 = arith.mulf %parallel_loop3A_299, %gather3A_128 : vector<16xf32>
          %parallel_loop3A_301 = arith.addf %parallel_loop3A_295, %parallel_loop3A_300 : vector<16xf32>
          %parallel_loop3A_302 = arith.constant 1 : i32
          %parallel_loop3A_303 = arith.index_cast %parallel_loop3A_302 : i32 to index
          %parallel_loop3A_304 = arith.index_cast %parallel_loop3A_247 : i32 to index
          %parallel_loop3A_305 = tpu.vector_load %arg8[%parallel_loop3A_303, %parallel_loop3A_304] {strides = array<i32>} : memref<5x3200xf32, #tpu.memory_space<vmem>>, vector<16xf32>,
          %parallel_loop3A_306 = arith.mulf %parallel_loop3A_305, %gather3A_140 : vector<16xf32>
          %parallel_loop3A_307 = arith.addf %parallel_loop3A_301, %parallel_loop3A_306 : vector<16xf32>
          %parallel_loop3A_308 = arith.constant 2 : i32
          %parallel_loop3A_309 = arith.index_cast %parallel_loop3A_308 : i32 to index
          %parallel_loop3A_310 = arith.index_cast %parallel_loop3A_247 : i32 to index
          %parallel_loop3A_311 = tpu.vector_load %arg8[%parallel_loop3A_309, %parallel_loop3A_310] {strides = array<i32>} : memref<5x3200xf32, #tpu.memory_space<vmem>>, vector<16xf32>,
          %parallel_loop3A_312 = arith.mulf %parallel_loop3A_311, %gather3A_152 : vector<16xf32>
          %parallel_loop3A_313 = arith.addf %parallel_loop3A_307, %parallel_loop3A_312 : vector<16xf32>
          %parallel_loop3A_314 = arith.constant 3 : i32
          %parallel_loop3A_315 = arith.index_cast %parallel_loop3A_314 : i32 to index
          %parallel_loop3A_316 = arith.index_cast %parallel_loop3A_247 : i32 to index
          %parallel_loop3A_317 = tpu.vector_load %arg8[%parallel_loop3A_315, %parallel_loop3A_316] {strides = array<i32>} : memref<5x3200xf32, #tpu.memory_space<vmem>>, vector<16xf32>,
          %parallel_loop3A_318 = arith.mulf %parallel_loop3A_317, %gather3A_164 : vector<16xf32>
          %parallel_loop3A_319 = arith.addf %parallel_loop3A_313, %parallel_loop3A_318 : vector<16xf32>
          %parallel_loop3A_320 = arith.constant 4 : i32
          %parallel_loop3A_321 = arith.index_cast %parallel_loop3A_320 : i32 to index
          %parallel_loop3A_322 = arith.index_cast %parallel_loop3A_247 : i32 to index
          %parallel_loop3A_323 = tpu.vector_load %arg8[%parallel_loop3A_321, %parallel_loop3A_322] {strides = array<i32>} : memref<5x3200xf32, #tpu.memory_space<vmem>>, vector<16xf32>,
          %parallel_loop3A_324 = arith.mulf %parallel_loop3A_323, %gather3A_176 : vector<16xf32>
          %parallel_loop3A_325 = arith.addf %parallel_loop3A_319, %parallel_loop3A_324 : vector<16xf32>
          %parallel_loop3A_326 = arith.index_cast %parallel_loop3A_247 : i32 to index
          %parallel_loop3A_327 = tpu.vector_load %arg9[%parallel_loop3A_326] {strides = array<i32>} : memref<3200xf32, #tpu.memory_space<vmem>>, vector<16xf32>,
          tpu.vector_store %arg9[%parallel_loop3A_326], %parallel_loop3A_325 {strides = array<i32>} : memref<3200xf32, #tpu.memory_space<vmem>>, vector<16xf32>,
        } {sc.loop_unroll_factor = 4 : i64, sc.parallel_access}
        %mul3A_242 = arith.constant 32 : i32
        %mul3A_243 = arith.muli %add3A_216, %mul3A_242 : i32
        %add3A_244 = arith.addi %mul3A_243, %add3A : i32
        %mul3A_245 = arith.constant 3200 : i32
        %mul3A_246 = arith.muli %add3A_244, %mul3A_245 : i32
        "tpu.region"() ({
          %run_scoped3A = tpu.sem_alloc : memref<!tpu.dma_semaphore, #tpu.memory_space<semaphore_mem>>
          %dma_start3A = tpu.memref_slice %arg4[%mul3A_246] : memref<1280000xf32, #tpu.memory_space<hbm>> -> memref<3200xf32, #tpu.memory_space<hbm>>
          %dma_start3A_247 = tpu.memref_slice %arg4[%mul3A_246] : memref<1280000xf32, #tpu.memory_space<hbm>> -> memref<3200xf32, #tpu.memory_space<hbm>>
          tpu.enqueue_dma source(%arg9 : memref<3200xf32, #tpu.memory_space<vmem>>) target(%dma_start3A_247 : memref<3200xf32, #tpu.memory_space<hbm>>) target_semaphore(%run_scoped3A : memref<!tpu.dma_semaphore, #tpu.memory_space<semaphore_mem>>)
          %dma_wait3A_248 = tpu.memref_slice %arg4[%mul3A_246] : memref<1280000xf32, #tpu.memory_space<hbm>> -> memref<3200xf32, #tpu.memory_space<hbm>>
          %dma_wait3A_249 = tpu.memref_slice %arg4[%mul3A_246] : memref<1280000xf32, #tpu.memory_space<hbm>> -> memref<3200xf32, #tpu.memory_space<hbm>>
          tpu.wait_dma2 semaphore(%run_scoped3A : memref<!tpu.dma_semaphore, #tpu.memory_space<semaphore_mem>>) src(%arg9 : memref<3200xf32, #tpu.memory_space<vmem>>) dst(%dma_wait3A_249 : memref<3200xf32, #tpu.memory_space<hbm>>)
          tpu.yield
        }) : () -> ()
      } else {
      }
      %scan3A_227 = arith.constant 0 : i32
      scf.yield %scan3A_227 : i32
    }
    %scan3A_196 = arith.constant 7 : i32
    return
  }
}

module attributes {stable_mosaic.version = 14 : i64} {
  func.func @_tc_body(%arg0: i32, %arg1: memref<13x128000xf32, #tpu.memory_space<vmem>>, %arg2: memref<13x1xf32, #tpu.memory_space<vmem>>, %arg3: memref<1x1xf32, #tpu.memory_space<smem>>, %arg4: memref<128000xf32, #tpu.memory_space<vmem>>) attributes {dimension_semantics = [#tpu.dimension_semantics<arbitrary>], iteration_bounds = array<i64: 15>, scalar_prefetch = 0 : i64, scratch_operands = 0 : i64, tpu.core_type = #tpu.core_type<tc>, window_params = [{transform_indices = @transform_0, window_bounds = array<i64: 13, 128000>}, {pipeline_mode = #tpu.pipeline_mode<synchronous>, transform_indices = @transform_1, window_bounds = array<i64: 13, 1>}, {transform_indices = @transform_2, window_bounds = array<i64: 1, 1>}, {transform_indices = @transform_3, window_bounds = array<i64: 128000>}]} {
    %get3A = arith.constant 0 : index
    %get3A_0 = arith.constant 0 : index
    %get3A_1 = vector.load %arg1[%get3A, %get3A_0] : memref<13x128000xf32, #tpu.memory_space<vmem>>, vector<13x128000xf32>
    %get3A_2 = arith.constant 0 : index
    %get3A_3 = arith.constant 0 : index
    %get3A_4 = vector.load %arg2[%get3A_2, %get3A_3] : memref<13x1xf32, #tpu.memory_space<vmem>>, vector<13x1xf32>
    %mul3A = vector.broadcast %get3A_4 : vector<13x1xf32> to vector<13x128000xf32>
    %mul3A_5 = arith.mulf %get3A_1, %mul3A : vector<13x128000xf32>
    %reduce_sum3A = arith.constant dense<0.000000e+00> : vector<128000xf32>
    %reduce_sum3A_6 = vector.multi_reduction <add>, %mul3A_5, %reduce_sum3A [0] : vector<13x128000xf32> to vector<128000xf32>
    %get3A_7 = arith.constant 0 : index
    %get3A_8 = arith.constant 0 : index
    %get3A_9 = memref.load %arg3[%get3A_7, %get3A_8] : memref<1x1xf32, #tpu.memory_space<smem>>
    %add3A = vector.broadcast %get3A_9 : f32 to vector<128000xf32>
    %add3A_10 = arith.addf %reduce_sum3A_6, %add3A : vector<128000xf32>
    %swap3A = arith.constant 0 : index
    %swap3A_11 = vector.load %arg4[%swap3A] : memref<128000xf32, #tpu.memory_space<vmem>>, vector<128000xf32>
    tpu.vector_store %arg4[%swap3A], %add3A_10 {strides = array<i32>} : memref<128000xf32, #tpu.memory_space<vmem>>, vector<128000xf32>,
    return
  }
  func.func @transform_0(%arg0: i32) -> (i32, i32) {
    %add3A = arith.constant 10 : i32
    %add3A_0 = arith.addi %arg0, %add3A : i32
    %c0_i32 = arith.constant 0 : i32
    %c0_i32_1 = arith.constant 0 : i32
    return %c0_i32, %add3A_0 : i32, i32
  }
  func.func @transform_1(%arg0: i32) -> (i32, i32) {
    %c0_i32 = arith.constant 0 : i32
    %c0_i32_0 = arith.constant 0 : i32
    %c0_i32_1 = arith.constant 0 : i32
    return %c0_i32, %c0_i32_0 : i32, i32
  }
  func.func @transform_2(%arg0: i32) -> (i32, i32) {
    %c0_i32 = arith.constant 0 : i32
    %c0_i32_0 = arith.constant 0 : i32
    %c0_i32_1 = arith.constant 0 : i32
    return %c0_i32, %c0_i32_0 : i32, i32
  }
  func.func @transform_3(%arg0: i32) -> i32 {
    %c0_i32 = arith.constant 0 : i32
    return %arg0 : i32
  }
}

</mosaic_0001>

<sc_bundles>
// kernel: kernel.4.cloned.1.call-start
scs
__scs_entry_jumppad:
0x0: {  	(pc) =	sbr.rel $0x88, $3  }
0x1: {  	(tag) =	ssettag $0x0;
	lr =	simm.s32 $0x1  }
0x2: {  	[smem:$0x3F9E] =	sst lr;
	_ =	strace $0xD0000000  }
0x3: {  	_ = 	snop  }
0x4: {  	_ = 	snop  }
0x5: {  	_ = 	snop  }
0x6: {  	_ = 	snop  }
0x7: {  	_ = 	snop  }
__scs_overlays_trampoline_lowered:
0x8: {  	[smem:$0x3FAD] =	sst s0  }
0x9: {  	[smem:$0x3FAE] =	sst s1  }
0xa: {  	[smem:$0x3FAF] =	sst s2  }
0xb: {  	[smem:$0x3FB0] =	sst s3  }
0xc: {  	[smem:$0x3FB1] =	sst s4  }
0xd: {  	[smem:$0x3FB2] =	sst s5  }
0xe: {  	[smem:$0x3FB3] =	sst s6  }
0xf: {  	[smem:$0x3FB4] =	sst s7  }
0x10: {  	[smem:$0x3FB5] =	sst s8  }
0x11: {  	[smem:$0x3FB6] =	sst s9;
	s0 =	simm.s32 @!p0 $0x0  }
0x12: {  	s1 =	sld [smem:$0x3F9C];
	s0 =	simm.s32 @p0 $0x1  }
0x13: {  	[smem:$0x3FB7] =	sst s0;
	s0 =	simm.s32 @!p1 $0x0  }
0x14: {  	s2 =	sld [smem:$0x3F9B];
	s0 =	simm.s32 @p1 $0x1  }
0x15: {  	[smem:$0x3FB8] =	sst s0;
	s0 =	simm.s32 @!p2 $0x0  }
0x16: {  	s3 =	sld [smem:$0x3FDB];
	s0 =	simm.s32 @p2 $0x1  }
0x17: {  	s4 =	simm.s32 $0x1BF5;
	[smem:$0x3FBA] =	sst s0  }
0x18: {  	s0 =	sld [smem:$0x3F9D];
	_ =	swait.ge [sflag:s4], $0x0  }
0x19: {  	s7 =	sld [smem:$0x3F9E]  }
0x1a: {  	s8 =	sadd.s32 $0xFFFFE003, lr  }
0x1b: {  	s9 =	sadd.s32 $0xFFFFFEF7, lr;
	s5 =	simm.s32 $0xFFFFFFFF;
	p2 =	slt.u32 s8, $0xFFFFF086  }
0x1c: {  	p1 =	slt.u32 s9, $0xF7A;
	s5 =	simm.s32 @!p2 $0x0  }
0x1d: {  	s5 =	simm.s32 @p1 $0x1;
	p0 =	seq.s32 s7, s2  }
0x1e: {  	s7 =	smul.u32 @!p0 $0xF7A, s2;
	p2 =	seq.s32 @!p0 s5, $0x0  }
0x1f: {  	s9 =	smul.u32 $0xF7A, s1;
	s8 =	simm.s32 @!p0 $0x1BF5;
	p2 =	por !p2, p0  }
0x20: {  	[sflag:s8] =	ssyncset.s32 @!p0 $0xFFFFF086;
	s6 =	sadd.s32 @!p0 s3, s7;
	s7 =	simm.s32 @!p0 $0x108  }
0x21: {  	s3 =	sadd.s32 s3, s9;
	s6 =	sadd.s32 @!p0 $0x88, s6;
	s7 =	simm.s32 @p2 $0x1082  }
0x22: {  	[simem:s7], [sflag:s8] =	dma.local @!p0 [hbm:s6], $0xF7A  }
0x23: {  	s9 =	sor.u32 $0xD0000000, s2;
	s6 =	simm.s32 $0x108;
	_ =	swait.ge @!p0 [sflag:s8], $0x0  }
0x24: {  	s3 =	sadd.s32 $0x88, s3;
	s6 =	simm.s32 @!p1 $0x1082;
	[sflag:s4] =	ssyncset.s32 $0xFFFFF086  }
0x25: {  	[simem:s6], [sflag:s4] =	dma.local [hbm:s3], $0xF7A  }
0x26: {  	[smem:$0x3F9E] =	sst s1;
	(tag) =	ssettag s2;
	_ =	strace s9  }
0x27: {  	s1 =	sld [smem:$0x3FAE]  }
0x28: {  	s2 =	sld [smem:$0x3FAF]  }
0x29: {  	s4 =	sld [smem:$0x3FB1]  }
0x2a: {  	p0 =	seq.s32 s5, $0x0;
	s5 =	sld [smem:$0x3FB2]  }
0x2b: {  	s6 =	sld [smem:$0x3FB3]  }
0x2c: {  	s7 =	sld [smem:$0x3FB4]  }
0x2d: {  	s3 =	simm.s32 $0x108;
	s8 =	sld [smem:$0x3FB5]  }
0x2e: {  	s3 =	simm.s32 @!p0 $0x1082;
	s9 =	sld [smem:$0x3FB6]  }
0x2f: {  	lr =	sadd.s32 s0, s3;
	s0 =	sld [smem:$0x3FAD]  }
0x30: {  	s3 =	sld [smem:$0x3FB0]  }
0x31: {  	[smem:$0x3FB9] =	sst s10  }
0x32: {  	s10 =	sld [smem:$0x3FB7];
	_ =	sdelay $0x3  }
0x33: {  	p0 =	seq.s32 s10, $0x1;
	s10 =	sld [smem:$0x3FB9];
	_ =	sdelay $0x3  }
0x34: {  	[smem:$0x3FB9] =	sst s10  }
0x35: {  	s10 =	sld [smem:$0x3FB8];
	_ =	sdelay $0x3  }
0x36: {  	p1 =	seq.s32 s10, $0x1;
	s10 =	sld [smem:$0x3FB9];
	_ =	sdelay $0x3  }
0x37: {  	[smem:$0x3FB9] =	sst s10  }
0x38: {  	s10 =	sld [smem:$0x3FBA]  }
0x39: {  	_ = 	snop;
	(pc) =	sbr.ind lr, $3  }
0x3a: {  	_ = 	snop  }
0x3b: {  	_ = 	snop  }
0x3c: {  	p2 =	seq.s32 s10, $0x1;
	s10 =	sld [smem:$0x3FB9]  }
0x3d: {  	_ =	shalt  }
0x3e: {  	_ =	shalt  }
0x3f: {  	_ =	shalt  }
0x40: {  	_ =	shalt  }
0x41: {  	_ =	shalt  }
0x42: {  	_ =	shalt  }
0x43: {  	_ =	shalt  }
0x44: {  	_ =	shalt  }
0x45: {  	_ =	shalt  }
0x46: {  	_ =	shalt  }
0x47: {  	_ =	shalt  }
0x48: {  	_ =	shalt  }
0x49: {  	_ =	shalt  }
0x4a: {  	_ =	shalt  }
0x4b: {  	_ =	shalt  }
0x4c: {  	_ =	shalt  }
0x4d: {  	_ =	shalt  }
0x4e: {  	_ =	shalt  }
0x4f: {  	_ =	shalt  }
0x50: {  	_ =	shalt  }
0x51: {  	_ =	shalt  }
0x52: {  	_ =	shalt  }
0x53: {  	_ =	shalt  }
0x54: {  	_ =	shalt  }
0x55: {  	_ =	shalt  }
0x56: {  	_ =	shalt  }
0x57: {  	_ =	shalt  }
0x58: {  	_ =	shalt  }
0x59: {  	_ =	shalt  }
0x5a: {  	_ =	shalt  }
0x5b: {  	_ =	shalt  }
0x5c: {  	_ =	shalt  }
0x5d: {  	_ =	shalt  }
0x5e: {  	_ =	shalt  }
0x5f: {  	_ =	shalt  }
0x60: {  	_ =	shalt  }
0x61: {  	_ =	shalt  }
0x62: {  	_ =	shalt  }
0x63: {  	_ =	shalt  }
0x64: {  	_ =	shalt  }
0x65: {  	_ =	shalt  }
0x66: {  	_ =	shalt  }
0x67: {  	_ =	shalt  }
0x68: {  	_ =	shalt  }
0x69: {  	_ =	shalt  }
0x6a: {  	_ =	shalt  }
0x6b: {  	_ =	shalt  }
0x6c: {  	_ =	shalt  }
0x6d: {  	_ =	shalt  }
0x6e: {  	_ =	shalt  }
0x6f: {  	_ =	shalt  }
0x70: {  	_ =	shalt  }
0x71: {  	_ =	shalt  }
0x72: {  	_ =	shalt  }
0x73: {  	_ =	shalt  }
0x74: {  	_ =	shalt  }
0x75: {  	_ =	shalt  }
0x76: {  	_ =	shalt  }
0x77: {  	_ =	shalt  }
0x78: {  	_ =	shalt  }
0x79: {  	_ =	shalt  }
0x7a: {  	_ =	shalt  }
0x7b: {  	_ =	shalt  }
0x7c: {  	_ =	shalt  }
0x7d: {  	_ =	shalt  }
0x7e: {  	_ =	shalt  }
0x7f: {  	_ =	shalt  }
0x80: {  	_ =	shalt  }
0x81: {  	_ =	shalt  }
0x82: {  	_ =	shalt  }
0x83: {  	_ =	shalt  }
0x84: {  	_ =	shalt  }
0x85: {  	_ =	shalt  }
0x86: {  	_ =	shalt  }
0x87: {  	_ =	shalt  }
.Lfunc_end0:
.L_simem_size_0:
called_computation_lowered:
.L_overlay_start_0:
0x88: {  	s2 =	sld [smem:$0x3FD9]  }
0x89: {  	s3 =	sld [smem:$0x3FFE];
	_ =	sdelay $0x1  }
0x8a: {  	s1 =	srdreg.scid  }
0x8b: {  	s0 =	sand.u32 $0x1, s1  }
0x8c: {  	s17 =	sshll.u32 s0, $0xA;
	s2 =	sadd.s32 s3, s2  }
0x8d: {  	s2 =	sadd.s32 s2, s17  }
0x8e: {  	[smem:$0x3FC5] =	sst s2  }
0x8f: {  	_ = 	snop  }
0x90: {  	s2 =	sld [smem:$0x3FC9];
	(tm) =	ssettm $0x1  }
0x91: {  	s18 =	sld [smem:$0x3FFB];
	_ =	sdelay $0x3  }
0x92: {  	_ =	strace s18  }
0x93: {  	s3 =	sld [smem:$0x3FFC];
	_ =	sdelay $0x3  }
0x94: {  	_ =	strace s3  }
0x95: {  	s3 =	sld [smem:$0x3FFD];
	_ =	sdelay $0x3  }
0x96: {  	_ =	strace s3  }
0x97: {  	_ =	strace $0x8FFFFFFF  }
0x98: {  	s19 =	sld [smem:$0x3FDB];
	_ =	sdelay $0x1  }
0x99: {  	s4 =	simm.s32 $_scs_section_size  }
0x9a: {  	s5 =	simm.s32 $_size__tile_overlayer_lowered;
	s6 =	simm.s32 $_tile_overlayer_lowered  }
0x9b: {  	s22 =	simm.s32 $0x1BFF;
	s21 =	sshll.u32 s6, $0x1;
	s3 =	sadd.s32 s4, s19  }
0x9c: {  	s7 =	simm.s32 $0x0;
	s20 =	sshll.u32 s5, $0x1;
	s5 =	sadd.s32 s21, s3  }
0x9d: {  	[timem:s7], [sflag:s22] =	dma.local [hbm:s5], s20  }
0x9e: {  	_ =	swait.ge [sflag:s22], s20  }
0x9f: {  	s4 =	ssub.s32 $0x0, s20;
	[sflag:s22] =	ssyncset.done $0x0  }
0xa0: {  	[sflag:s22] =	ssyncadd.s32 s4;
	_ =	sdelay $0x1  }
0xa1: {  	s23 =	simm.s32 $0x1B8B  }
0xa2: {  	_ =	swait.ge [sflag:s23], $0x1  }
0xa3: {  	[sflag:s23] =	ssyncset.done $0x0  }
0xa4: {  	s25 =	simm.s32 $0x1B8E;
	s24 =	sld [smem:$0x3FFE];
	[sflag:s23] =	ssyncadd.s32 $0xFFFFFFFF  }
0xa5: {  	s26 =	simm.s32 $execute0_lowered;
	[smem:$0x3FD2] =	sst s25  }
0xa6: {  	s5 =	sshll.u32 s26, $0x1;
	_ =	strace $0x80000046;
	[dreg:$0x1] =	wrdreg $0xFFFFFFFF  }
0xa7: {  	s28 =	simm.s32 $_size_execute0_lowered;
	s3 =	sadd.s32 s3, s5;
	[dreg:$0x0] =	wrdreg $0x0  }
0xa8: {  	s5 =	sshll.u32 s28, $0x1;
	[dreg:$0x2] =	wrdreg s3  }
0xa9: {  	[dreg:$0x3] =	wrdreg s5  }
0xaa: {  	[dreg:$0x4] =	wrdreg $0xC0  }
0xab: {  	_ =	task [dreg:s7], $0x5FFFF  }
0xac: {  	[dreg:$0x1] =	wrdreg $0xFFFFFFFF  }
0xad: {  	[dreg:$0x0] =	wrdreg $0x60  }
0xae: {  	[dreg:$0x2] =	wrdreg s2  }
0xaf: {  	[dreg:$0x3] =	wrdreg s24  }
0xb0: {  	[dreg:$0x4] =	wrdreg $0x9  }
0xb1: {  	_ =	task.clear_ibuf [dreg:s7], $0x5FFFF;
	_ =	strace $0x90000046  }
0xb2: {  	s29 =	simm.s32 $0x9;
	_ =	strace $0x80000048  }
0xb3: {  	_ =	swait.ge [sflag:s29], $0x1  }
0xb4: {  	[sflag:s29] =	ssyncadd.s32 $0xFFFFFFFF  }
0xb5: {  	_ =	strace $0x90000048  }
0xb6: {  	_ =	sfence  }
0xb7: {  	s30 =	sld [smem:$0x0];
	_ =	sdelay $0x2  }
0xb8: {  	s31 =	sshll.u32 s1, $0xD;
	s1 =	sshrl.u32 s1, $0x2  }
0xb9: {  	s3 =	sand.u32 $0x4000, s31;
	s1 =	sadd.s32 s1, s30  }
0xba: {  	s0 =	sor.u32 s3, s0;
	s1 =	sshll.u32 s1, $0x11  }
0xbb: {  	s0 =	sor.u32 s1, s0  }
0xbc: {  	s0 =	sadd.s32 $0x8F2B, s0  }
0xbd: {  	[sflag:s0] =	ssyncadd.remote.s32 $0x1  }
0xbe: {  	_ =	sfence.sel $0xFFFF  }
0xbf: {  	[dreg:$0x0] =	wrdreg $0xFFFFFFFF;
	(pc) =	sbr.abs _section_cstart, $3  }
0xc0: {  	[dreg:$0x1] =	wrdreg $0xFFFFFFFF  }
0xc1: {  	_ =	task.clear_ibuf [dreg:s7], $0x2FFFF;
	_ =	strace $0x9FFFFFFF  }
0xc2: {  	(tm) =	ssettm $0x7FFFFFFF  }
0xc3: {  	_ =	shalt  }
tec
execute0_lowered:
.L_overlay_start_1:
0x0: {  	(tag) =	ssettag $0x1  }
0x1: {  	s2 =	rddreg [dreg:$0x0]  }
0x2: {  	s0 =	rddreg [dreg:$0x1]  }
0x3: {  	s1 =	srdreg.scid;
	s3 =	stileid.u32  }
0x4: {  	s12 =	simm.s32 $0x5;
	s14 =	simm.s32 $0x1;
	s15 =	simm.s32 $0x3  }
0x5: {  	s17 =	simm.s32 $0x6;
	s4 =	sshll.u32 s3, $0x1;
	s3 =	simm.s32 $0x0  }
0x6: {  	s1 =	sand.u32 $0x1, s1;
	s6 =	sadd.s32 $0x200, s0;
	[smem:$0x7FF] =	sst s3  }
0x7: {  	s4 =	sor.u32 s1, s4;
	s30 =	ssub.s32 $0x2, s1;
	_ =	strace $0x80000047  }
0x8: {  	s5 =	smul.u32 $0x6400, s4;
	[dreg:$0x3] =	wrdreg s6;
	s1 =	sshrl.u32 s30, $0x1  }
.Ltmp0:
0x9: {  	s6 =	sadd.s32 $0x400, s0;
	s0 =	ssub.s32 s30, s1;
	(pc) =	sbr.rel .LBB2_1-.Ltmp0, $4  }
0xa: {  	v2 =	vimm.s32 $0x2;
	v3 =	vimm.s32 $0x3;
	v4 =	vimm.s32 $0x4;
	s18 =	simm.s32 $0x2;
	s5 =	sshrl.u32 s5, $0x3;
	s0 =	smax.u32 s0, $0x1  }
0xb: {  	v5 =	vimm.s32 $0x5;
	v6 =	vimm.s32 $0x6;
	v7 =	vimm.s32 $0x7;
	s19 =	simm.s32 $0x4;
	s31 =	sadd.s32 s2, s5;
	[dreg:$0x6] =	wrdreg s0  }
0xc: {  	v8 =	vimm.s32 $0x8;
	v9 =	vimm.s32 $0x9;
	v10 =	vimm.s32 $0xA;
	s7 =	ssub.s32 $0x1AF, s4;
	[dreg:$0x4] =	wrdreg s31;
	s1 =	sadd.s32 $0x30D400, s31  }
0xd: {  	v11 =	vimm.s32 $0xB;
	v12 =	vimm.s32 $0xC;
	v13 =	vimm.s32 $0xD;
	s7 =	sshrl.u32 s7, $0x5;
	[dreg:$0x5] =	wrdreg s1;
	s1 =	simm.s32 $0x0  }
.LBB2_11:
0xe: {  	s1 =	rddreg [dreg:$0x7]  }
0xf: {  	s0 =	rddreg [dreg:$0x6];
	s1 =	sadd.s32 $0x1, s1  }
0x10: {  	p0 =	sne.s32 s1, s0  }
.Ltmp1:
0x11: {  	_ = 	snop;
	(pc) =	sbr.rel @!p0 .LBB2_12-.Ltmp1, $1  }
0x12: {  	_ =	sdelay $0x3  }
.LBB2_1:
0x13: {  	[dreg:$0x7] =	wrdreg s1  }
0x14: {  	s0 =	rddreg [dreg:$0x3];
	s28 =	simm.s32 $0x19C80  }
0x15: {  	[tilespmem:s28], [sflag:$0x5] =	stream.linear.gather [hbm4b:s0+s3], $0x80, $0x38;
	[tilespmem:$0x19D00] =	vst v63  }
0x16: {  	_ =	swait.ge [sflag:s12], $0x80  }
0x17: {  	[sflag:s12] =	ssyncset.done $0x0  }
0x18: {  	[sflag:s12] =	ssyncadd.s32 $0xFFFFFF80  }
0x19: {  	v27 =	vld [tilespmem:$0x19C80];
	_ =	sdelay $0x3  }
0x1a: {  	v0 =	vimm.s32 $0x0  }
0x1b: {  	v14 =	vperm.xlane v27, v0;
	v16 =	vperm.xlane v27, v2  }
0x1c: {  	v17 =	vperm.xlane v27, v3;
	v18 =	vperm.xlane v27, v4  }
.Ltmp2:
0x1d: {  	v19 =	vperm.xlane v27, v5;
	v20 =	vperm.xlane v27, v6;
	(pc) =	sbr.rel .LBB2_2-.Ltmp2, $4  }
0x1e: {  	s29 =	rddreg [dreg:$0x4];
	v21 =	vperm.xlane v27, v7;
	v22 =	vperm.xlane v27, v8  }
0x1f: {  	[tilespmem:s3], [sflag:$0x1] =	stream.linear.gather [hbm4b:s29+s3], $0x6400, $0x38;
	v23 =	vperm.xlane v27, v9;
	v24 =	vperm.xlane v27, v10;
	[tilespmem:$0x19D00] =	vst v63  }
0x20: {  	s31 =	simm.s32 $0x6400;
	s21 =	simm.s32 $0x0;
	s30 =	rddreg [dreg:$0x5];
	v0 =	vimm.s32 $0x1;
	v25 =	vperm.xlane v27, v11;
	v26 =	vperm.xlane v27, v12  }
0x21: {  	[tilespmem:s31], [sflag:$0x3] =	stream.linear.gather [hbm4b:s30+s3], $0x6400, $0x38;
	v15 =	vperm.xlane v27, v0;
	v27 =	vperm.xlane v27, v13;
	[tilespmem:$0x19D00] =	vst v63  }
.LBB2_10:
0x22: {  	s21 =	sadd.s32 $0x1, s21  }
0x23: {  	p0 =	sne.s32 s21, $0x7  }
.Ltmp3:
0x24: {  	_ = 	snop;
	(pc) =	sbr.rel @!p0 .LBB2_11-.Ltmp3, $1  }
0x25: {  	_ =	sdelay $0x3  }
.LBB2_2:
0x26: {  	s22 =	sshllo.u32 s21, $0x1  }
0x27: {  	p0 =	sge.u32 s22, s7  }
0x28: {  	s0 =	sshll.u32 @!p0 s22, $0x5  }
0x29: {  	s0 =	sor.u32 @!p0 s4, s0  }
0x2a: {  	s23 =	sshll.u32 s21, $0x1;
	s0 =	smul.u32 @!p0 $0x6400, s0  }
0x2b: {  	p1 =	sge.u32 s23, s7  }
.Ltmp4:
0x2c: {  	s0 =	sshrl.u32 @!p0 s0, $0x3;
	(pc) =	sbr.rel @p1 .LBB2_6-.Ltmp4, $4  }
0x2d: {  	s1 =	simm.s32 @!p0 $0x0;
	s5 =	simm.s32 @!p0 $0xC800;
	s0 =	sadd.s32 @!p0 s2, s0  }
0x2e: {  	[tilespmem:s5], [sflag:$0x2] =	stream.linear.gather @!p0 [hbm4b:s0+s1], $0x6400, $0x38;
	[tilespmem:$0x19D00] =	vst v63  }
0x2f: {  	s0 =	sadd.s32 @!p0 $0x30D400, s0;
	s5 =	simm.s32 @!p0 $0x12C00  }
0x30: {  	[tilespmem:s5], [sflag:$0x4] =	stream.linear.gather @!p0 [hbm4b:s0+s1], $0x6400, $0x38;
	[tilespmem:$0x19D00] =	vst v63  }
0x31: {  	_ =	swait.ge [sflag:s14], $0x6400  }
0x32: {  	[sflag:s14] =	ssyncset.done $0x0  }
0x33: {  	s30 =	simm.s32 $0x0;
	[sflag:s14] =	ssyncadd.s32 $0xFFFF9C00  }
0x34: {  	s0 =	simm.s32 $0x0;
	s5 =	sand.u32 $0x40, s30;
	_ =	swait.ge [sflag:s15], $0x6400  }
0x35: {  	s9 =	sand.u32 $0x7C00, s0;
	s0 =	sor.u32 $0x30, s5;
	[sflag:s15] =	ssyncset.done $0x0  }
0x36: {  	s29 =	sor.u32 $0x10, s5;
	s10 =	sor.u32 s0, s9;
	[sflag:s15] =	ssyncadd.s32 $0xFFFF9C00  }
0x37: {  	s1 =	sor.u32 s29, s9;
	v29 =	vld [tilespmem:s10+$0x0]  }
0x38: {  	s28 =	sor.u32 $0x20, s5;
	v30 =	vld [tilespmem:s1+$0x0]  }
0x39: {  	p1 =	por $0x0, $0x0;
	s11 =	simm.s32 $0x1;
	s8 =	sor.u32 s28, s9;
	v31 =	vld [tilespmem:s10+$0x80]  }
0x3a: {  	s11 =	simm.s32 @!p1 $0x0;
	v32 =	vld [tilespmem:s8+$0x0]  }
0x3b: {  	s5 =	sor.u32 s5, s9;
	s24 =	sshll.u32 s11, $0x6;
	v33 =	vld [tilespmem:s10+$0x100]  }
0x3c: {  	s9 =	sadd.s32 $0x0, s24;
	v34 =	vld [tilespmem:s5+$0x0]  }
0x3d: {  	s25 =	sadd.s32 $0x30, s9;
	v35 =	vld [tilespmem:s10+$0x180]  }
0x3e: {  	s13 =	sor.u32 $0x200, s25;
	v36 =	vld [tilespmem:s1+$0x80]  }
0x3f: {  	v37 =	vld [tilespmem:s13+$0x0]  }
0x40: {  	v38 =	vld [tilespmem:s8+$0x80]  }
0x41: {  	v39 =	vld [tilespmem:s10+$0x280]  }
0x42: {  	v40 =	vld [tilespmem:s5+$0x80]  }
0x43: {  	v41 =	vld [tilespmem:s10+$0x300]  }
0x44: {  	v42 =	vld [tilespmem:s1+$0x100]  }
0x45: {  	v43 =	vld [tilespmem:s10+$0x380]  }
0x46: {  	v44 =	vld [tilespmem:s8+$0x100]  }
0x47: {  	v45 =	vld [tilespmem:s10+$0x6400]  }
0x48: {  	v46 =	vld [tilespmem:s5+$0x100]  }
0x49: {  	v47 =	vld [tilespmem:s10+$0x6480]  }
0x4a: {  	v48 =	vld [tilespmem:s1+$0x180]  }
0x4b: {  	v49 =	vld [tilespmem:s10+$0x6500]  }
0x4c: {  	v50 =	vld [tilespmem:s8+$0x180]  }
0x4d: {  	v51 =	vld [tilespmem:s10+$0x6580]  }
0x4e: {  	s16 =	sadd.s32 $0x20, s9;
	v52 =	vld [tilespmem:s5+$0x180]  }
0x4f: {  	s20 =	sor.u32 $0x200, s16;
	v28 =	vld [tilespmem:s13+$0x6400]  }
0x50: {  	s26 =	sadd.s32 $0x10, s9;
	s9 =	sor.u32 $0x200, s9;
	v54 =	vld [tilespmem:s20+$0x0]  }
0x51: {  	v55 =	vld [tilespmem:s9+$0x0]  }
0x52: {  	v56 =	vld [tilespmem:s1+$0x280]  }
0x53: {  	v57 =	vld [tilespmem:s8+$0x280]  }
0x54: {  	v58 =	vld [tilespmem:s5+$0x280]  }
0x55: {  	v59 =	vld [tilespmem:s1+$0x300]  }
0x56: {  	v60 =	vld [tilespmem:s8+$0x300]  }
0x57: {  	v61 =	vld [tilespmem:s5+$0x300]  }
0x58: {  	v62 =	vld [tilespmem:s8+$0x380]  }
0x59: {  	v63 =	vld [tilespmem:s1+$0x6400];
	v29 =	vmul.f32 v29, v14  }
0x5a: {  	v0 =	vld [tilespmem:s5+$0x6400];
	v31 =	vmul.f32 v31, v15;
	v30 =	vmul.f32 v30, v14  }
0x5b: {  	s10 =	sor.u32 $0x200, s26;
	v1 =	vld [tilespmem:s8+$0x6480];
	v32 =	vmul.f32 v32, v14;
	v34 =	vmul.f32 v34, v14;
	v29 =	vadd.f32 v29, v27  }
0x5c: {  	v53 =	vld [tilespmem:s10+$0x0];
	v36 =	vmul.f32 v36, v15;
	v40 =	vmul.f32 v40, v15;
	v30 =	vadd.f32 v30, v27  }
0x5d: {  	v34 =	vadd.f32 v34, v27;
	v29 =	vadd.f32 v31, v29;
	v31 =	vmul.f32 v33, v16;
	v33 =	vld [tilespmem:s1+$0x380]  }
0x5e: {  	v30 =	vadd.f32 v36, v30;
	v36 =	vmul.f32 v38, v15;
	v38 =	vld [tilespmem:s1+$0x6500]  }
0x5f: {  	v32 =	vadd.f32 v32, v27;
	v34 =	vadd.f32 v40, v34;
	v40 =	vld [tilespmem:s8+$0x6580]  }
0x60: {  	v29 =	vadd.f32 v31, v29;
	v31 =	vmul.f32 v35, v17;
	v35 =	vld [tilespmem:s5+$0x380]  }
0x61: {  	v44 =	vmul.f32 v44, v16;
	v32 =	vadd.f32 v36, v32;
	v36 =	vmul.f32 v42, v16;
	v42 =	vld [tilespmem:s5+$0x6500]  }
0x62: {  	v49 =	vmul.f32 v49, v24;
	v29 =	vadd.f32 v31, v29;
	v31 =	vmul.f32 v37, v18;
	v37 =	vld [tilespmem:s8+$0x6400]  }
0x63: {  	v30 =	vadd.f32 v36, v30;
	v36 =	vmul.f32 v46, v16;
	v32 =	vadd.f32 v44, v32;
	v44 =	vld [tilespmem:s5+$0x6580]  }
0x64: {  	v46 =	vmul.f32 v47, v23;
	v47 =	vld [tilespmem:s10+$0x6400];
	v29 =	vadd.f32 v31, v29;
	v31 =	vmul.f32 v39, v19  }
0x65: {  	s24 =	simm.s32 $0x40;
	v57 =	vmul.f32 v57, v19;
	v39 =	vld [tilespmem:s1+$0x6480];
	v34 =	vadd.f32 v36, v34;
	v36 =	vmul.f32 v50, v17  }
0x66: {  	s16 =	sand.u32 $0x40, s24;
	s25 =	simm.s32 $0x200;
	v58 =	vmul.f32 v58, v19;
	v50 =	vld [tilespmem:s20+$0x6400];
	v29 =	vadd.f32 v31, v29;
	v31 =	vmul.f32 v41, v20  }
0x67: {  	s26 =	sand.u32 $0x7C00, s25;
	s13 =	sor.u32 $0x10, s16;
	v59 =	vmul.f32 v59, v20;
	v41 =	vld [tilespmem:s5+$0x6480];
	v32 =	vadd.f32 v36, v32;
	v36 =	vmul.f32 v54, v18  }
0x68: {  	v60 =	vmul.f32 v60, v20;
	v29 =	vadd.f32 v31, v29;
	v31 =	vmul.f32 v43, v21;
	v43 =	vld [tilespmem:s8+$0x6500];
	s8 =	sor.u32 s13, s26  }
0x69: {  	v51 =	vmul.f32 v51, v25;
	v61 =	vmul.f32 v61, v20;
	v32 =	vadd.f32 v36, v32;
	v36 =	vld [tilespmem:s8+$0x0]  }
0x6a: {  	v28 =	vmul.f32 v28, v26;
	s5 =	sor.u32 $0x30, s16;
	v29 =	vadd.f32 v31, v29;
	v31 =	vmul.f32 v45, v22;
	v45 =	vld [tilespmem:s1+$0x6580]  }
0x6b: {  	v0 =	vmul.f32 v0, v22;
	s1 =	sor.u32 s5, s26;
	v32 =	vadd.f32 v57, v32;
	v57 =	vmul.f32 v38, v24;
	v38 =	vld [tilespmem:s8+$0x100]  }
0x6c: {  	v1 =	vmul.f32 v1, v23;
	v54 =	vld [tilespmem:s1+$0x80];
	v29 =	vadd.f32 v31, v29;
	v31 =	vmul.f32 v48, v17  }
0x6d: {  	v53 =	vmul.f32 v53, v18;
	v33 =	vmul.f32 v33, v21;
	v48 =	vld [tilespmem:s1+$0x0]  }
0x6e: {  	v35 =	vmul.f32 v35, v21;
	v30 =	vadd.f32 v31, v30;
	v29 =	vadd.f32 v46, v29;
	v46 =	vld [tilespmem:s9+$0x6400]  }
0x6f: {  	p1 =	por !p1, !p1;
	v31 =	vmul.f32 v52, v17;
	v52 =	vmul.f32 v56, v19;
	s9 =	sor.u32 $0x20, s16;
	v56 =	vld [tilespmem:s1+$0x180]  }
0x70: {  	s20 =	simm.s32 $0x1;
	v32 =	vadd.f32 v60, v32;
	v60 =	vmul.f32 v62, v21;
	s10 =	sor.u32 s9, s26;
	s26 =	sor.u32 s16, s26;
	v30 =	vadd.f32 v53, v30;
	v53 =	vld [tilespmem:s1+$0x100]  }
0x71: {  	s20 =	simm.s32 @!p1 $0x0;
	v31 =	vadd.f32 v31, v34;
	v34 =	vmul.f32 v55, v18;
	v29 =	vadd.f32 v49, v29;
	v49 =	vld [tilespmem:s26+$0x0]  }
0x72: {  	s20 =	sshll.u32 s20, $0x6;
	v44 =	vmul.f32 v44, v25;
	v62 =	vmul.f32 v37, v22;
	v37 =	vld [tilespmem:s10+$0x80]  }
0x73: {  	v32 =	vadd.f32 v60, v32;
	v36 =	vmul.f32 v36, v14;
	s16 =	sadd.s32 $0x200, s20;
	v55 =	vld [tilespmem:s1+$0x280];
	v31 =	vadd.f32 v34, v31  }
0x74: {  	v45 =	vmul.f32 v45, v25;
	s11 =	sadd.s32 $0x30, s16;
	v30 =	vadd.f32 v52, v30;
	v52 =	vld [tilespmem:s10+$0x0];
	v29 =	vadd.f32 v51, v29  }
0x75: {  	v38 =	vmul.f32 v38, v16;
	v36 =	vadd.f32 v36, v27;
	s20 =	sor.u32 $0x200, s11;
	v51 =	vld [tilespmem:s8+$0x80];
	v31 =	vadd.f32 v58, v31  }
0x76: {  	v34 =	vld [tilespmem:s20+$0x0];
	v46 =	vmul.f32 v46, v26;
	v30 =	vadd.f32 v59, v30;
	v28 =	vadd.f32 v28, v29  }
0x77: {  	v29 =	vadd.f32 v62, v32;
	v32 =	vld [tilespmem:s26+$0x80];
	v58 =	vmul.f32 v42, v24;
	v59 =	vmul.f32 v54, v15  }
0x78: {  	v42 =	vld [tilespmem:s1+$0x380];
	v54 =	vmul.f32 v55, v19;
	v31 =	vadd.f32 v61, v31;
	v30 =	vadd.f32 v33, v30  }
0x79: {  	v55 =	vld [tilespmem:s26+$0x180];
	v61 =	vmul.f32 v63, v22;
	v1 =	vadd.f32 v1, v29;
	v29 =	vmul.f32 v48, v14  }
0x7a: {  	v62 =	vmul.f32 v56, v17;
	v60 =	vmul.f32 v53, v16;
	v33 =	vld [tilespmem:s1+$0x300];
	v31 =	vadd.f32 v35, v31  }
0x7b: {  	v63 =	vmul.f32 v39, v23;
	v48 =	vld [tilespmem:s1+$0x6500];
	v30 =	vadd.f32 v61, v30;
	v29 =	vadd.f32 v29, v27  }
0x7c: {  	v61 =	vmul.f32 v47, v26;
	v47 =	vld [tilespmem:s8+$0x180];
	v0 =	vadd.f32 v0, v31;
	v31 =	vmul.f32 v41, v23  }
0x7d: {  	v56 =	vmul.f32 v49, v14;
	v37 =	vmul.f32 v37, v15;
	v35 =	vld [tilespmem:s10+$0x180];
	v30 =	vadd.f32 v63, v30  }
0x7e: {  	v29 =	vadd.f32 v59, v29;
	v41 =	vld [tilespmem:s26+$0x100];
	v0 =	vadd.f32 v31, v0;
	v31 =	vmul.f32 v43, v24  }
0x7f: {  	v53 =	vmul.f32 v52, v14;
	v63 =	vmul.f32 v50, v26;
	v50 =	vld [tilespmem:s20+$0x6400];
	v30 =	vadd.f32 v57, v30  }
0x80: {  	v43 =	vld [tilespmem:s10+$0x100];
	v29 =	vadd.f32 v60, v29;
	v57 =	vmul.f32 v51, v15;
	v1 =	vadd.f32 v31, v1  }
0x81: {  	s11 =	sadd.s32 $0x10, s16;
	v51 =	vld [tilespmem:s26+$0x280];
	v31 =	vmul.f32 v40, v25;
	v0 =	vadd.f32 v58, v0;
	v30 =	vadd.f32 v45, v30  }
0x82: {  	s11 =	sor.u32 $0x200, s11;
	v34 =	vmul.f32 v34, v18;
	v40 =	vld [tilespmem:s1+$0x6400];
	v29 =	vadd.f32 v62, v29;
	v45 =	vadd.f32 v53, v27  }
0x83: {  	v32 =	vmul.f32 v32, v15;
	v58 =	vld [tilespmem:s11+$0x0];
	v36 =	vadd.f32 v57, v36;
	v1 =	vadd.f32 v31, v1  }
0x84: {  	v33 =	vmul.f32 v33, v20;
	v57 =	vld [tilespmem:s26+$0x300];
	v0 =	vadd.f32 v44, v0;
	v29 =	vadd.f32 v34, v29  }
0x85: {  	v60 =	vmul.f32 v42, v21;
	v31 =	vld [tilespmem:s1+$0x6480];
	v30 =	vadd.f32 v61, v30;
	v37 =	vadd.f32 v37, v45  }
0x86: {  	s31 =	sadd.s32 $0x20, s16;
	v52 =	vmul.f32 v47, v17;
	v44 =	vld [tilespmem:s1+$0x6580];
	v36 =	vadd.f32 v38, v36;
	v29 =	vadd.f32 v54, v29  }
0x87: {  	s1 =	sor.u32 $0x200, s31;
	v45 =	vld [tilespmem:s8+$0x280];
	v43 =	vmul.f32 v43, v16;
	v1 =	vadd.f32 v63, v1;
	v0 =	vadd.f32 v46, v0  }
0x88: {  	v35 =	vmul.f32 v35, v17;
	s31 =	sor.u32 $0x200, s16;
	v59 =	vld [tilespmem:s1+$0x0];
	v46 =	vadd.f32 v56, v27;
	v29 =	vadd.f32 v33, v29  }
0x89: {  	v61 =	vld [tilespmem:s31+$0x0];
	v54 =	vmul.f32 v55, v17;
	v62 =	vmul.f32 v40, v22;
	v37 =	vadd.f32 v43, v37  }
0x8a: {  	v63 =	vld [tilespmem:s10+$0x280];
	v56 =	vmul.f32 v58, v18;
	v34 =	vmul.f32 v57, v20;
	v29 =	vadd.f32 v60, v29  }
0x8b: {  	v53 =	vld [tilespmem:s8+$0x300];
	v32 =	vadd.f32 v32, v46;
	v46 =	vmul.f32 v41, v16;
	v31 =	vmul.f32 v31, v23  }
0x8c: {  	v47 =	vld [tilespmem:s8+$0x6400];
	v35 =	vadd.f32 v35, v37;
	v45 =	vmul.f32 v45, v19;
	v29 =	vadd.f32 v62, v29  }
0x8d: {  	v55 =	vld [tilespmem:s10+$0x300];
	v32 =	vadd.f32 v46, v32;
	v58 =	vmul.f32 v59, v18;
	v60 =	vmul.f32 v48, v24  }
0x8e: {  	v59 =	vld [tilespmem:s8+$0x380];
	v42 =	vmul.f32 v61, v18;
	v29 =	vadd.f32 v31, v29;
	v31 =	vadd.f32 v52, v36  }
0x8f: {  	v61 =	vld [tilespmem:s10+$0x380];
	v32 =	vadd.f32 v54, v32;
	v35 =	vadd.f32 v58, v35;
	v62 =	vmul.f32 v63, v19  }
0x90: {  	v46 =	vmul.f32 v51, v19;
	v48 =	vmul.f32 v53, v20;
	v63 =	vld [tilespmem:s26+$0x380];
	v31 =	vadd.f32 v56, v31  }
0x91: {  	v51 =	vmul.f32 v44, v25;
	v53 =	vld [tilespmem:s26+$0x6400];
	v32 =	vadd.f32 v42, v32;
	v35 =	vadd.f32 v62, v35  }
0x92: {  	v49 =	vld [tilespmem:s10+$0x6400];
	v58 =	vmul.f32 v50, v26;
	v29 =	vadd.f32 v60, v29;
	v31 =	vadd.f32 v45, v31  }
0x93: {  	s30 =	sand.u32 $0xF80, s30;
	v54 =	vld [tilespmem:s8+$0x6480];
	v52 =	vmul.f32 v55, v20;
	v37 =	vmul.f32 v59, v21;
	v32 =	vadd.f32 v46, v32  }
0x94: {  	s16 =	sor.u32 $0x19000, s30;
	v55 =	vld [tilespmem:s10+$0x6480];
	v33 =	vmul.f32 v61, v21;
	v43 =	vadd.f32 v51, v29;
	v31 =	vadd.f32 v48, v31  }
0x95: {  	s0 =	sor.u32 s0, s16;
	v57 =	vld [tilespmem:s26+$0x6480];
	v56 =	vmul.f32 v63, v21;
	v29 =	vadd.f32 v52, v35;
	v32 =	vadd.f32 v34, v32  }
0x96: {  	s20 =	sor.u32 s29, s16;
	[tilespmem:s0+$0x0] =	vst v28;
	v28 =	vld [tilespmem:s8+$0x6500];
	v59 =	vmul.f32 v47, v22;
	v61 =	vmul.f32 v53, v22;
	v31 =	vadd.f32 v37, v31  }
0x97: {  	s30 =	sand.u32 $0xF80, s24;
	s29 =	sor.u32 s28, s16;
	[tilespmem:s20+$0x0] =	vst v30;
	v60 =	vmul.f32 v49, v22;
	v33 =	vadd.f32 v33, v29;
	v32 =	vadd.f32 v56, v32;
	v29 =	vld [tilespmem:s10+$0x6500]  }
0x98: {  	s16 =	sor.u32 $0x19000, s30;
	s0 =	simm.s32 $0x19000;
	v30 =	vld [tilespmem:s26+$0x6500];
	[tilespmem:s29+$0x0] =	vst v1;
	v63 =	vmul.f32 v54, v23;
	v1 =	vadd.f32 v58, v43;
	v62 =	vadd.f32 v59, v31  }
0x99: {  	s5 =	sor.u32 s5, s16;
	[tilespmem:s0+$0x0] =	vst v0;
	v35 =	vadd.f32 v60, v33;
	v37 =	vmul.f32 v55, v23;
	v31 =	vld [tilespmem:s8+$0x6580]  }
0x9a: {  	s13 =	sor.u32 s13, s16;
	s9 =	sor.u32 s9, s16;
	v36 =	vmul.f32 v57, v23;
	v34 =	vadd.f32 v61, v32;
	[tilespmem:s5+$0x0] =	vst v1;
	v32 =	vld [tilespmem:s10+$0x6580];
	v33 =	vadd.f32 v63, v62  }
.LBB2_4:
0x9b: {  	s24 =	sadd.s32 $0x40, s24;
	v0 =	vld [tilespmem:s26+$0x6580];
	v1 =	vmul.f32 v28, v24;
	v28 =	vadd.f32 v37, v35  }
0x9c: {  	s25 =	sadd.s32 $0x200, s25;
	s8 =	sand.u32 $0x40, s24;
	p2 =	slt.u32 s24, $0xC40;
	v34 =	vadd.f32 v36, v34;
	v35 =	vld [tilespmem:s11+$0x6400];
	v29 =	vmul.f32 v29, v24  }
0x9d: {  	s11 =	sand.u32 $0x7C00, s25;
	s28 =	sor.u32 $0x10, s8;
	s10 =	sor.u32 $0x30, s8;
	v30 =	vmul.f32 v30, v24;
	v1 =	vadd.f32 v1, v33;
	v33 =	vld [tilespmem:s1+$0x6400]  }
0x9e: {  	s29 =	sor.u32 $0x20, s8;
	s5 =	sor.u32 s28, s11;
	s30 =	sor.u32 s10, s11;
	v36 =	vld [tilespmem:s31+$0x6400];
	v31 =	vmul.f32 v31, v25;
	v28 =	vadd.f32 v29, v28  }
0x9f: {  	s26 =	sor.u32 s8, s11;
	s8 =	sor.u32 s29, s11;
	v29 =	vld [tilespmem:s30+$0x0];
	v30 =	vadd.f32 v30, v34;
	v32 =	vmul.f32 v32, v25  }
0xa0: {  	v34 =	vld [tilespmem:s5+$0x0];
	v0 =	vmul.f32 v0, v25;
	v1 =	vadd.f32 v31, v1  }
0xa1: {  	p1 =	por !p1, !p1;
	s1 =	simm.s32 $0x1;
	v31 =	vld [tilespmem:s30+$0x80];
	v35 =	vmul.f32 v35, v26;
	v28 =	vadd.f32 v32, v28  }
0xa2: {  	s1 =	simm.s32 @!p1 $0x0;
	v32 =	vld [tilespmem:s8+$0x0];
	v0 =	vadd.f32 v0, v30;
	v30 =	vmul.f32 v33, v26  }
0xa3: {  	s1 =	sshll.u32 s1, $0x6;
	v33 =	vld [tilespmem:s30+$0x100];
	v36 =	vmul.f32 v36, v26;
	v1 =	vadd.f32 v35, v1  }
0xa4: {  	s0 =	sadd.s32 $0x40, s0;
	s16 =	sadd.s32 s1, s25;
	v35 =	vld [tilespmem:s26+$0x0];
	v29 =	vmul.f32 v29, v14;
	v28 =	vadd.f32 v30, v28  }
0xa5: {  	s1 =	sadd.s32 $0x10, s16;
	s20 =	sadd.s32 $0x20, s16;
	s31 =	sadd.s32 $0x30, s16;
	v30 =	vmul.f32 v34, v14;
	v34 =	vld [tilespmem:s30+$0x180];
	v0 =	vadd.f32 v36, v0;
	[tilespmem:s13+$0x0] =	vst v1  }
0xa6: {  	s11 =	sor.u32 $0x200, s1;
	s1 =	sor.u32 $0x200, s20;
	s13 =	sor.u32 $0x200, s31;
	v1 =	vld [tilespmem:s5+$0x80];
	v29 =	vadd.f32 v29, v27;
	v31 =	vmul.f32 v31, v15;
	[tilespmem:s9+$0x0] =	vst v28  }
0xa7: {  	s31 =	sor.u32 $0x200, s16;
	v28 =	vadd.f32 v30, v27;
	v30 =	vmul.f32 v32, v14;
	v32 =	vld [tilespmem:s13+$0x0];
	[tilespmem:s0+$0x0] =	vst v0  }
0xa8: {  	v0 =	vld [tilespmem:s8+$0x80];
	v29 =	vadd.f32 v31, v29;
	v31 =	vmul.f32 v33, v16  }
0xa9: {  	v33 =	vmul.f32 v35, v14;
	v30 =	vadd.f32 v30, v27;
	v35 =	vld [tilespmem:s30+$0x280]  }
0xaa: {  	v36 =	vld [tilespmem:s26+$0x80];
	v29 =	vadd.f32 v31, v29;
	v31 =	vmul.f32 v34, v17  }
0xab: {  	v33 =	vadd.f32 v33, v27;
	v1 =	vmul.f32 v1, v15;
	v34 =	vld [tilespmem:s30+$0x300]  }
0xac: {  	v37 =	vld [tilespmem:s5+$0x100];
	v29 =	vadd.f32 v31, v29;
	v31 =	vmul.f32 v32, v18  }
0xad: {  	v1 =	vadd.f32 v1, v28;
	v0 =	vmul.f32 v0, v15;
	v28 =	vld [tilespmem:s30+$0x380]  }
0xae: {  	v32 =	vld [tilespmem:s8+$0x100];
	v29 =	vadd.f32 v31, v29;
	v31 =	vmul.f32 v35, v19  }
0xaf: {  	v35 =	vmul.f32 v36, v15;
	v0 =	vadd.f32 v0, v30;
	v30 =	vld [tilespmem:s30+$0x6400]  }
0xb0: {  	v36 =	vld [tilespmem:s26+$0x100];
	v29 =	vadd.f32 v31, v29;
	v31 =	vmul.f32 v34, v20  }
0xb1: {  	v33 =	vadd.f32 v35, v33;
	v34 =	vmul.f32 v37, v16;
	v35 =	vld [tilespmem:s30+$0x6480]  }
0xb2: {  	v37 =	vld [tilespmem:s5+$0x180];
	v29 =	vadd.f32 v31, v29;
	v28 =	vmul.f32 v28, v21  }
0xb3: {  	v1 =	vadd.f32 v34, v1;
	v31 =	vmul.f32 v32, v16;
	v32 =	vld [tilespmem:s30+$0x6500]  }
0xb4: {  	v34 =	vld [tilespmem:s8+$0x180];
	v28 =	vadd.f32 v28, v29;
	v29 =	vmul.f32 v30, v22  }
0xb5: {  	v30 =	vmul.f32 v36, v16;
	v0 =	vadd.f32 v31, v0;
	v31 =	vld [tilespmem:s30+$0x6580]  }
0xb6: {  	v36 =	vld [tilespmem:s26+$0x180];
	v28 =	vadd.f32 v29, v28;
	v29 =	vmul.f32 v35, v23  }
0xb7: {  	v30 =	vadd.f32 v30, v33;
	v33 =	vmul.f32 v37, v17;
	v35 =	vld [tilespmem:s13+$0x6400]  }
0xb8: {  	v37 =	vld [tilespmem:s11+$0x0];
	v28 =	vadd.f32 v29, v28;
	v29 =	vmul.f32 v32, v24  }
0xb9: {  	v1 =	vadd.f32 v33, v1;
	v32 =	vmul.f32 v34, v17;
	v33 =	vld [tilespmem:s1+$0x0]  }
0xba: {  	v34 =	vld [tilespmem:s31+$0x0];
	v28 =	vadd.f32 v29, v28;
	v29 =	vmul.f32 v31, v25  }
0xbb: {  	v31 =	vmul.f32 v36, v17;
	v36 =	vld [tilespmem:s5+$0x280];
	v0 =	vadd.f32 v32, v0  }
0xbc: {  	v32 =	vld [tilespmem:s8+$0x280];
	v28 =	vadd.f32 v29, v28;
	v29 =	vmul.f32 v35, v26  }
0xbd: {  	s9 =	sand.u32 $0xF80, s24;
	v30 =	vadd.f32 v31, v30;
	v31 =	vld [tilespmem:s26+$0x280];
	v35 =	vmul.f32 v37, v18  }
0xbe: {  	s16 =	sor.u32 $0x19000, s9;
	v37 =	vld [tilespmem:s5+$0x300];
	v33 =	vmul.f32 v33, v18;
	v28 =	vadd.f32 v29, v28  }
0xbf: {  	s9 =	sor.u32 s29, s16;
	s10 =	sor.u32 s10, s16;
	s13 =	sor.u32 s28, s16;
	v29 =	vmul.f32 v34, v18;
	v1 =	vadd.f32 v35, v1;
	v34 =	vld [tilespmem:s8+$0x300]  }
0xc0: {  	v35 =	vld [tilespmem:s26+$0x300];
	v36 =	vmul.f32 v36, v19;
	v0 =	vadd.f32 v33, v0;
	[tilespmem:s10+$0x0] =	vst v28  }
0xc1: {  	v28 =	vadd.f32 v29, v30;
	v29 =	vld [tilespmem:s5+$0x380];
	v30 =	vmul.f32 v32, v19  }
0xc2: {  	v31 =	vmul.f32 v31, v19;
	v1 =	vadd.f32 v36, v1;
	v32 =	vld [tilespmem:s8+$0x380]  }
0xc3: {  	v33 =	vld [tilespmem:s26+$0x380];
	v36 =	vmul.f32 v37, v20;
	v0 =	vadd.f32 v30, v0  }
0xc4: {  	v28 =	vadd.f32 v31, v28;
	v30 =	vld [tilespmem:s5+$0x6400];
	v31 =	vmul.f32 v34, v20  }
0xc5: {  	v34 =	vmul.f32 v35, v20;
	v1 =	vadd.f32 v36, v1;
	v35 =	vld [tilespmem:s8+$0x6400]  }
0xc6: {  	v36 =	vld [tilespmem:s26+$0x6400];
	v29 =	vmul.f32 v29, v21;
	v0 =	vadd.f32 v31, v0  }
0xc7: {  	v28 =	vadd.f32 v34, v28;
	v31 =	vld [tilespmem:s5+$0x6480];
	v32 =	vmul.f32 v32, v21  }
0xc8: {  	v33 =	vmul.f32 v33, v21;
	v1 =	vadd.f32 v29, v1;
	v37 =	vld [tilespmem:s8+$0x6480]  }
0xc9: {  	v38 =	vld [tilespmem:s26+$0x6480];
	v29 =	vmul.f32 v30, v22;
	v0 =	vadd.f32 v32, v0  }
.Ltmp5:
0xca: {  	v32 =	vadd.f32 v33, v28;
	v28 =	vld [tilespmem:s5+$0x6500];
	v33 =	vmul.f32 v35, v22;
	(pc) =	sbr.rel @p2 .LBB2_4-.Ltmp5, $4  }
0xcb: {  	v34 =	vmul.f32 v36, v22;
	v1 =	vadd.f32 v29, v1;
	v29 =	vld [tilespmem:s8+$0x6500]  }
0xcc: {  	v30 =	vld [tilespmem:s26+$0x6500];
	v39 =	vmul.f32 v31, v23;
	v35 =	vadd.f32 v33, v0  }
0xcd: {  	v34 =	vadd.f32 v34, v32;
	v31 =	vld [tilespmem:s5+$0x6580];
	v37 =	vmul.f32 v37, v23  }
0xce: {  	v36 =	vmul.f32 v38, v23;
	v33 =	vadd.f32 v39, v1;
	v32 =	vld [tilespmem:s8+$0x6580]  }
0xcf: {  	v0 =	vld [tilespmem:s26+$0x6580]  }
0xd0: {  	v1 =	vld [tilespmem:s11+$0x6400]  }
0xd1: {  	v28 =	vmul.f32 v28, v24;
	v35 =	vadd.f32 v37, v35;
	v60 =	vld [tilespmem:s1+$0x6400]  }
0xd2: {  	v61 =	vld [tilespmem:s31+$0x6400];
	v34 =	vadd.f32 v36, v34;
	v29 =	vmul.f32 v29, v24;
	v30 =	vmul.f32 v30, v24  }
0xd3: {  	v28 =	vadd.f32 v28, v33;
	v31 =	vmul.f32 v31, v25  }
0xd4: {  	v29 =	vadd.f32 v29, v35;
	v30 =	vadd.f32 v30, v34;
	v32 =	vmul.f32 v32, v25  }
0xd5: {  	v0 =	vmul.f32 v0, v25;
	v28 =	vadd.f32 v31, v28;
	v1 =	vmul.f32 v1, v26  }
0xd6: {  	v62 =	vmul.f32 v60, v26;
	v29 =	vadd.f32 v32, v29  }
0xd7: {  	s29 =	sshll.u32 s21, $0x6;
	v63 =	vmul.f32 v61, v26;
	v0 =	vadd.f32 v0, v30;
	v1 =	vadd.f32 v1, v28  }
0xd8: {  	s1 =	sor.u32 s4, s29;
	v28 =	vadd.f32 v62, v29  }
0xd9: {  	s1 =	smul.u32 $0x190, s1;
	v0 =	vadd.f32 v63, v0;
	[tilespmem:s13+$0x0] =	vst v1  }
0xda: {  	s0 =	sadd.s32 $0x40, s0;
	[tilespmem:s9+$0x0] =	vst v28  }
0xdb: {  	s31 =	simm.s32 $0x19000;
	s30 =	sadd.s32 s6, s1;
	[tilespmem:s0+$0x0] =	vst v0  }
0xdc: {  	[hbm4b:s30+s3] =	stream.linear.scatter [tilespmem:s31], [sflag:$0x6], $0xC80, $0x38;
	[tilespmem:$0x19D00] =	vst v63  }
0xdd: {  	_ =	swait.ge [sflag:s17], $0xC80  }
0xde: {  	[sflag:s17] =	ssyncset.done $0x0  }
0xdf: {  	[sflag:s17] =	ssyncadd.s32 $0xFFFFF380  }
.LBB2_6:
0xe0: {  	s0 =	sadd.s32 $0x2, s23  }
0xe1: {  	p1 =	sge.u32 s0, s7  }
0xe2: {  	s0 =	sshll.u32 @!p1 s0, $0x5  }
0xe3: {  	s0 =	sor.u32 @!p1 s4, s0  }
0xe4: {  	s0 =	smul.u32 @!p1 $0x6400, s0;
	_ =	sdelay $0x1  }
.Ltmp6:
0xe5: {  	s0 =	sshrl.u32 @!p1 s0, $0x3;
	(pc) =	sbr.rel @p0 .LBB2_10-.Ltmp6, $4  }
0xe6: {  	s1 =	simm.s32 @!p1 $0x0;
	s0 =	sadd.s32 @!p1 s2, s0  }
0xe7: {  	[tilespmem:s1], [sflag:$0x1] =	stream.linear.gather @!p1 [hbm4b:s0+s1], $0x6400, $0x38;
	[tilespmem:$0x19D00] =	vst v63  }
0xe8: {  	s5 =	simm.s32 @!p1 $0x6400;
	s0 =	sadd.s32 @!p1 $0x30D400, s0  }
0xe9: {  	[tilespmem:s5], [sflag:$0x3] =	stream.linear.gather @!p1 [hbm4b:s0+s1], $0x6400, $0x38;
	[tilespmem:$0x19D00] =	vst v63  }
0xea: {  	_ =	swait.ge [sflag:s18], $0x6400  }
0xeb: {  	[sflag:s18] =	ssyncset.done $0x0  }
0xec: {  	s30 =	simm.s32 $0x0;
	[sflag:s18] =	ssyncadd.s32 $0xFFFF9C00  }
0xed: {  	s0 =	simm.s32 $0x0;
	s11 =	sand.u32 $0x40, s30;
	_ =	swait.ge [sflag:s19], $0x6400  }
0xee: {  	s8 =	sand.u32 $0x7C00, s0;
	s29 =	sor.u32 $0x30, s11;
	[sflag:s19] =	ssyncset.done $0x0  }
0xef: {  	s28 =	sor.u32 $0x10, s11;
	s9 =	sor.u32 s29, s8;
	[sflag:s19] =	ssyncadd.s32 $0xFFFF9C00  }
0xf0: {  	s0 =	sor.u32 s28, s8;
	v0 =	vld [tilespmem:s9+$0xC800]  }
0xf1: {  	s26 =	sor.u32 $0x20, s11;
	v1 =	vld [tilespmem:s0+$0xC800]  }
0xf2: {  	p0 =	por $0x0, $0x0;
	s10 =	simm.s32 $0x1;
	s5 =	sor.u32 s26, s8;
	v29 =	vld [tilespmem:s9+$0xC880]  }
0xf3: {  	s10 =	simm.s32 @!p0 $0x0;
	v30 =	vld [tilespmem:s5+$0xC800]  }
0xf4: {  	s1 =	sor.u32 s11, s8;
	s10 =	sshll.u32 s10, $0x6;
	v31 =	vld [tilespmem:s9+$0xC900]  }
0xf5: {  	s13 =	sadd.s32 $0x0, s10;
	v32 =	vld [tilespmem:s1+$0xC800]  }
0xf6: {  	s10 =	sadd.s32 $0x30, s13;
	v33 =	vld [tilespmem:s9+$0xC980]  }
0xf7: {  	s16 =	sor.u32 $0x200, s10;
	v34 =	vld [tilespmem:s0+$0xC880]  }
0xf8: {  	s20 =	sadd.s32 $0xC800, s8;
	v35 =	vld [tilespmem:s16+$0xC800]  }
0xf9: {  	s8 =	sor.u32 s29, s20;
	v36 =	vld [tilespmem:s5+$0xC880]  }
0xfa: {  	v37 =	vld [tilespmem:s8+$0x280]  }
0xfb: {  	v38 =	vld [tilespmem:s1+$0xC880]  }
0xfc: {  	v39 =	vld [tilespmem:s8+$0x300]  }
0xfd: {  	v40 =	vld [tilespmem:s0+$0xC900]  }
0xfe: {  	v41 =	vld [tilespmem:s8+$0x380]  }
0xff: {  	v42 =	vld [tilespmem:s5+$0xC900]  }
0x100: {  	v43 =	vld [tilespmem:s9+$0x12C00]  }
0x101: {  	v44 =	vld [tilespmem:s1+$0xC900]  }
0x102: {  	v45 =	vld [tilespmem:s9+$0x12C80]  }
0x103: {  	v46 =	vld [tilespmem:s0+$0xC980]  }
0x104: {  	v47 =	vld [tilespmem:s9+$0x12D00]  }
0x105: {  	v48 =	vld [tilespmem:s5+$0xC980]  }
0x106: {  	v49 =	vld [tilespmem:s9+$0x12D80]  }
0x107: {  	s24 =	sadd.s32 $0x10, s13;
	v50 =	vld [tilespmem:s1+$0xC980]  }
0x108: {  	s3 =	sor.u32 $0x200, s24;
	v28 =	vld [tilespmem:s16+$0x12C00]  }
0x109: {  	s24 =	sor.u32 s28, s20;
	v51 =	vld [tilespmem:s3+$0xC800]  }
0x10a: {  	s11 =	sor.u32 s11, s20;
	v54 =	vld [tilespmem:s24+$0x280]  }
0x10b: {  	v56 =	vld [tilespmem:s11+$0x280]  }
0x10c: {  	v57 =	vld [tilespmem:s24+$0x300]  }
0x10d: {  	v59 =	vld [tilespmem:s11+$0x300]  }
0x10e: {  	v61 =	vld [tilespmem:s0+$0x12C00]  }
0x10f: {  	s25 =	sadd.s32 $0x20, s13;
	v62 =	vld [tilespmem:s1+$0x12C00]  }
0x110: {  	s9 =	sor.u32 $0x200, s25;
	v63 =	vld [tilespmem:s5+$0x12C80]  }
0x111: {  	s8 =	sor.u32 $0x200, s13;
	v52 =	vld [tilespmem:s9+$0xC800];
	v0 =	vmul.f32 v0, v14  }
0x112: {  	s25 =	sor.u32 s26, s20;
	v53 =	vld [tilespmem:s8+$0xC800];
	v1 =	vmul.f32 v1, v14  }
0x113: {  	v55 =	vld [tilespmem:s25+$0x280];
	v29 =	vmul.f32 v29, v15;
	v0 =	vadd.f32 v0, v27  }
0x114: {  	v58 =	vld [tilespmem:s25+$0x300];
	v34 =	vmul.f32 v34, v15;
	v32 =	vmul.f32 v32, v14;
	v1 =	vadd.f32 v1, v27  }
0x115: {  	v60 =	vld [tilespmem:s25+$0x380];
	v30 =	vmul.f32 v30, v14;
	v0 =	vadd.f32 v29, v0;
	v29 =	vmul.f32 v31, v16  }
0x116: {  	v38 =	vmul.f32 v38, v15;
	v32 =	vadd.f32 v32, v27;
	v31 =	vld [tilespmem:s24+$0x380];
	v1 =	vadd.f32 v34, v1  }
0x117: {  	v34 =	vmul.f32 v36, v15;
	v36 =	vld [tilespmem:s0+$0x12D00];
	v0 =	vadd.f32 v29, v0;
	v29 =	vmul.f32 v33, v17  }
0x118: {  	v30 =	vadd.f32 v30, v27;
	v32 =	vadd.f32 v38, v32;
	v38 =	vld [tilespmem:s5+$0x12D80]  }
0x119: {  	v33 =	vld [tilespmem:s11+$0x380];
	v0 =	vadd.f32 v29, v0;
	v29 =	vmul.f32 v35, v18  }
0x11a: {  	v42 =	vmul.f32 v42, v16;
	v30 =	vadd.f32 v34, v30;
	v34 =	vmul.f32 v40, v16;
	v40 =	vld [tilespmem:s1+$0x12D00]  }
0x11b: {  	v35 =	vld [tilespmem:s5+$0x12C00];
	v0 =	vadd.f32 v29, v0;
	v29 =	vmul.f32 v37, v19  }
0x11c: {  	v1 =	vadd.f32 v34, v1;
	v34 =	vmul.f32 v44, v16;
	v30 =	vadd.f32 v42, v30;
	v42 =	vld [tilespmem:s1+$0x12D80]  }
0x11d: {  	v44 =	vmul.f32 v45, v23;
	v45 =	vld [tilespmem:s3+$0x12C00];
	v0 =	vadd.f32 v29, v0;
	v29 =	vmul.f32 v39, v20  }
0x11e: {  	v37 =	vld [tilespmem:s0+$0x12C80];
	v32 =	vadd.f32 v34, v32  }
0x11f: {  	s23 =	simm.s32 $0x40;
	v34 =	vmul.f32 v48, v17;
	v48 =	vld [tilespmem:s9+$0x12C00];
	v0 =	vadd.f32 v29, v0;
	v29 =	vmul.f32 v41, v21  }
0x120: {  	v47 =	vmul.f32 v47, v24;
	v56 =	vmul.f32 v56, v19;
	s24 =	simm.s32 $0x200;
	s11 =	sand.u32 $0x40, s23;
	v41 =	vld [tilespmem:s5+$0x12D00]  }
0x121: {  	v57 =	vmul.f32 v57, v20;
	s5 =	sor.u32 $0x10, s11;
	v0 =	vadd.f32 v29, v0;
	v29 =	vmul.f32 v43, v22;
	v43 =	vld [tilespmem:s0+$0x12D80];
	s0 =	sand.u32 $0x7C00, s24  }
0x122: {  	v49 =	vmul.f32 v49, v25;
	v52 =	vmul.f32 v52, v18;
	s13 =	sor.u32 $0x30, s11;
	v39 =	vld [tilespmem:s1+$0x12C80];
	v30 =	vadd.f32 v34, v30;
	s9 =	sor.u32 s5, s0  }
0x123: {  	v59 =	vmul.f32 v59, v20;
	v28 =	vmul.f32 v28, v26;
	s3 =	sor.u32 s13, s0;
	v34 =	vld [tilespmem:s9+$0xC800]  }
0x124: {  	v30 =	vadd.f32 v52, v30;
	v0 =	vadd.f32 v29, v0;
	v29 =	vmul.f32 v46, v17;
	v52 =	vld [tilespmem:s3+$0xC880]  }
0x125: {  	v53 =	vmul.f32 v53, v18;
	v46 =	vmul.f32 v51, v18;
	v51 =	vld [tilespmem:s3+$0xC900]  }
0x126: {  	p0 =	por !p0, !p0;
	s16 =	simm.s32 $0x1;
	v58 =	vmul.f32 v58, v20;
	v1 =	vadd.f32 v29, v1;
	v0 =	vadd.f32 v44, v0;
	v44 =	vld [tilespmem:s8+$0x12C00]  }
0x127: {  	s16 =	simm.s32 @!p0 $0x0;
	v29 =	vmul.f32 v50, v17;
	v50 =	vmul.f32 v54, v19;
	v54 =	vld [tilespmem:s3+$0xC980]  }
0x128: {  	s16 =	sshll.u32 s16, $0x6;
	v60 =	vmul.f32 v60, v21;
	s10 =	sor.u32 $0x20, s11;
	v31 =	vmul.f32 v31, v21;
	s25 =	sor.u32 s11, s0;
	v1 =	vadd.f32 v46, v1;
	v46 =	vld [tilespmem:s3+$0xC800]  }
0x129: {  	s20 =	sadd.s32 $0x200, s16;
	v36 =	vmul.f32 v36, v24;
	v38 =	vmul.f32 v38, v25;
	s8 =	sor.u32 s10, s0;
	v0 =	vadd.f32 v47, v0;
	v47 =	vld [tilespmem:s25+$0xC800]  }
0x12a: {  	s16 =	sadd.s32 $0x30, s20;
	v29 =	vadd.f32 v29, v32;
	v32 =	vmul.f32 v55, v19;
	v1 =	vadd.f32 v50, v1;
	v50 =	vld [tilespmem:s8+$0xC800]  }
0x12b: {  	s31 =	sor.u32 $0x200, s16;
	v33 =	vmul.f32 v33, v21;
	v40 =	vmul.f32 v40, v24;
	v0 =	vadd.f32 v49, v0;
	v49 =	vld [tilespmem:s9+$0xC880]  }
0x12c: {  	v42 =	vmul.f32 v42, v25;
	v29 =	vadd.f32 v53, v29;
	v30 =	vadd.f32 v32, v30;
	v32 =	vld [tilespmem:s31+$0xC800]  }
0x12d: {  	s16 =	sadd.s32 $0xC800, s0;
	v39 =	vmul.f32 v39, v23;
	v53 =	vmul.f32 v48, v26;
	v48 =	vld [tilespmem:s3+$0x12D00]  }
0x12e: {  	s1 =	sor.u32 s13, s16;
	v29 =	vadd.f32 v56, v29;
	v30 =	vadd.f32 v58, v30;
	v56 =	vmul.f32 v35, v22;
	v35 =	vld [tilespmem:s8+$0xC880]  }
0x12f: {  	v1 =	vadd.f32 v57, v1;
	v57 =	vmul.f32 v62, v22;
	v58 =	vld [tilespmem:s1+$0x280];
	v28 =	vadd.f32 v28, v0  }
0x130: {  	v62 =	vmul.f32 v45, v26;
	v45 =	vld [tilespmem:s9+$0xC980];
	v29 =	vadd.f32 v59, v29;
	v30 =	vadd.f32 v60, v30  }
0x131: {  	v1 =	vadd.f32 v31, v1;
	v31 =	vmul.f32 v61, v22;
	v59 =	vmul.f32 v41, v24;
	v41 =	vld [tilespmem:s1+$0x380]  }
0x132: {  	v60 =	vmul.f32 v52, v15;
	v52 =	vld [tilespmem:s8+$0xC900];
	v0 =	vadd.f32 v56, v30;
	v30 =	vmul.f32 v63, v23  }
0x133: {  	v34 =	vmul.f32 v34, v14;
	v29 =	vadd.f32 v33, v29;
	v1 =	vadd.f32 v31, v1;
	v33 =	vld [tilespmem:s25+$0xC880]  }
0x134: {  	v31 =	vmul.f32 v37, v23;
	v56 =	vld [tilespmem:s25+$0xC980];
	v0 =	vadd.f32 v30, v0;
	v30 =	vmul.f32 v46, v14  }
0x135: {  	v55 =	vmul.f32 v58, v19;
	v58 =	vmul.f32 v49, v15;
	v49 =	vld [tilespmem:s31+$0x12C00];
	v29 =	vadd.f32 v57, v29  }
0x136: {  	v43 =	vmul.f32 v43, v25;
	v1 =	vadd.f32 v31, v1;
	v31 =	vld [tilespmem:s1+$0x300];
	v30 =	vadd.f32 v30, v27  }
0x137: {  	v44 =	vmul.f32 v44, v26;
	v34 =	vadd.f32 v34, v27;
	v61 =	vmul.f32 v51, v16;
	v46 =	vld [tilespmem:s9+$0xC900]  }
0x138: {  	v32 =	vmul.f32 v32, v18;
	s1 =	sadd.s32 $0x10, s20;
	v29 =	vadd.f32 v39, v29;
	v39 =	vld [tilespmem:s3+$0x12C00];
	v30 =	vadd.f32 v60, v30  }
0x139: {  	v63 =	vmul.f32 v54, v17;
	s1 =	sor.u32 $0x200, s1;
	v1 =	vadd.f32 v36, v1;
	v0 =	vadd.f32 v59, v0;
	v36 =	vld [tilespmem:s8+$0xC980]  }
0x13a: {  	v54 =	vmul.f32 v50, v14;
	v35 =	vmul.f32 v35, v15;
	v59 =	vld [tilespmem:s1+$0xC800];
	v30 =	vadd.f32 v61, v30  }
0x13b: {  	v57 =	vmul.f32 v47, v14;
	v29 =	vadd.f32 v40, v29;
	v40 =	vld [tilespmem:s25+$0xC900];
	v0 =	vadd.f32 v38, v0  }
0x13c: {  	s11 =	sor.u32 s11, s16;
	v34 =	vadd.f32 v58, v34;
	v33 =	vmul.f32 v33, v15;
	v38 =	vld [tilespmem:s3+$0x12C80];
	v30 =	vadd.f32 v63, v30  }
0x13d: {  	v37 =	vmul.f32 v56, v17;
	v29 =	vadd.f32 v42, v29;
	v0 =	vadd.f32 v53, v0;
	v53 =	vld [tilespmem:s11+$0x280]  }
0x13e: {  	v1 =	vadd.f32 v43, v1;
	v61 =	vmul.f32 v46, v16;
	v46 =	vld [tilespmem:s11+$0x380];
	v30 =	vadd.f32 v32, v30  }
0x13f: {  	s0 =	sor.u32 $0x200, s20;
	v43 =	vadd.f32 v54, v27;
	v31 =	vmul.f32 v31, v20;
	v42 =	vadd.f32 v44, v29;
	v29 =	vld [tilespmem:s3+$0x12D80];
	s3 =	sadd.s32 $0x20, s20;
	s20 =	sor.u32 s10, s16  }
0x140: {  	v1 =	vadd.f32 v62, v1;
	v62 =	vmul.f32 v52, v16;
	v52 =	vld [tilespmem:s20+$0x280];
	v30 =	vadd.f32 v55, v30  }
0x141: {  	v54 =	vmul.f32 v45, v17;
	v35 =	vadd.f32 v35, v43;
	v36 =	vmul.f32 v36, v17;
	s31 =	sor.u32 $0x200, s3;
	v56 =	vld [tilespmem:s20+$0x300]  }
0x142: {  	v44 =	vadd.f32 v57, v27;
	s3 =	sor.u32 s5, s16;
	v60 =	vld [tilespmem:s31+$0xC800];
	v30 =	vadd.f32 v31, v30;
	v31 =	vmul.f32 v41, v21  }
0x143: {  	v34 =	vadd.f32 v61, v34;
	v35 =	vadd.f32 v62, v35;
	v40 =	vmul.f32 v40, v16;
	v63 =	vld [tilespmem:s3+$0x280]  }
0x144: {  	v32 =	vmul.f32 v59, v18;
	v59 =	vld [tilespmem:s3+$0x380];
	v30 =	vadd.f32 v31, v30;
	v31 =	vmul.f32 v39, v22  }
0x145: {  	v33 =	vadd.f32 v33, v44;
	v35 =	vadd.f32 v36, v35;
	v47 =	vmul.f32 v53, v19;
	v41 =	vld [tilespmem:s0+$0xC800]  }
0x146: {  	v55 =	vld [tilespmem:s3+$0x300];
	v29 =	vmul.f32 v29, v25;
	v30 =	vadd.f32 v31, v30;
	v31 =	vmul.f32 v38, v23  }
0x147: {  	v33 =	vadd.f32 v40, v33;
	v58 =	vmul.f32 v60, v18;
	v60 =	vmul.f32 v48, v24  }
0x148: {  	v57 =	vld [tilespmem:s11+$0x300];
	v62 =	vmul.f32 v63, v19;
	v30 =	vadd.f32 v31, v30;
	v31 =	vadd.f32 v54, v34  }
0x149: {  	v33 =	vadd.f32 v37, v33;
	v63 =	vmul.f32 v52, v19;
	v48 =	vld [tilespmem:s9+$0x12C00];
	v52 =	vmul.f32 v56, v20  }
0x14a: {  	v61 =	vld [tilespmem:s20+$0x380];
	v37 =	vmul.f32 v59, v21;
	v41 =	vmul.f32 v41, v18;
	v31 =	vadd.f32 v32, v31  }
0x14b: {  	v51 =	vld [tilespmem:s8+$0x12C00];
	v56 =	vmul.f32 v46, v21;
	v35 =	vadd.f32 v58, v35;
	v50 =	vmul.f32 v55, v20  }
0x14c: {  	v53 =	vld [tilespmem:s25+$0x12C00];
	v58 =	vmul.f32 v49, v26;
	v33 =	vadd.f32 v41, v33;
	v31 =	vadd.f32 v62, v31  }
0x14d: {  	s16 =	sand.u32 $0xF80, s30;
	v35 =	vadd.f32 v63, v35;
	v34 =	vmul.f32 v57, v20;
	v54 =	vld [tilespmem:s9+$0x12C80];
	v30 =	vadd.f32 v60, v30  }
0x14e: {  	s3 =	sor.u32 $0x19000, s16;
	v55 =	vld [tilespmem:s8+$0x12C80];
	v59 =	vmul.f32 v48, v22;
	v33 =	vadd.f32 v47, v33;
	v31 =	vadd.f32 v50, v31  }
0x14f: {  	s20 =	sor.u32 s29, s3;
	v57 =	vld [tilespmem:s25+$0x12C80];
	v32 =	vmul.f32 v61, v21;
	v30 =	vadd.f32 v29, v30;
	v29 =	vadd.f32 v52, v35  }
0x150: {  	s28 =	sor.u32 s28, s3;
	s3 =	sor.u32 s26, s3;
	[tilespmem:s20+$0x0] =	vst v28;
	v28 =	vld [tilespmem:s9+$0x12D00];
	v60 =	vmul.f32 v51, v22;
	v33 =	vadd.f32 v34, v33;
	v31 =	vadd.f32 v37, v31  }
0x151: {  	s29 =	sand.u32 $0xF80, s23;
	[tilespmem:s3+$0x0] =	vst v0;
	v61 =	vmul.f32 v53, v22;
	v32 =	vadd.f32 v32, v29;
	v29 =	vld [tilespmem:s8+$0x12D00];
	v0 =	vadd.f32 v58, v30  }
0x152: {  	s11 =	simm.s32 $0x19000;
	[tilespmem:s28+$0x0] =	vst v1;
	s30 =	sor.u32 $0x19000, s29;
	v63 =	vmul.f32 v54, v23;
	v30 =	vld [tilespmem:s25+$0x12D00];
	v1 =	vadd.f32 v56, v33;
	v62 =	vadd.f32 v59, v31  }
0x153: {  	[tilespmem:s11+$0x0] =	vst v42;
	s13 =	sor.u32 s13, s30;
	v35 =	vadd.f32 v60, v32;
	v37 =	vmul.f32 v55, v23;
	v31 =	vld [tilespmem:s9+$0x12D80]  }
0x154: {  	s26 =	sor.u32 s5, s30;
	v36 =	vmul.f32 v57, v23;
	[tilespmem:s13+$0x0] =	vst v0;
	v32 =	vld [tilespmem:s8+$0x12D80];
	v34 =	vadd.f32 v61, v1;
	s9 =	sor.u32 s10, s30;
	v33 =	vadd.f32 v63, v62  }
.LBB2_8:
0x155: {  	s23 =	sadd.s32 $0x40, s23;
	v0 =	vld [tilespmem:s25+$0x12D80];
	v1 =	vmul.f32 v28, v24;
	v28 =	vadd.f32 v37, v35  }
0x156: {  	s24 =	sadd.s32 $0x200, s24;
	s16 =	sand.u32 $0x40, s23;
	p1 =	slt.u32 s23, $0xC40;
	v34 =	vadd.f32 v36, v34;
	v35 =	vld [tilespmem:s1+$0x12C00];
	v29 =	vmul.f32 v29, v24  }
0x157: {  	s20 =	sand.u32 $0x7C00, s24;
	s10 =	sor.u32 $0x10, s16;
	s8 =	sor.u32 $0x30, s16;
	v30 =	vmul.f32 v30, v24;
	v1 =	vadd.f32 v1, v33;
	v33 =	vld [tilespmem:s31+$0x12C00]  }
0x158: {  	s28 =	sor.u32 $0x20, s16;
	s5 =	sor.u32 s10, s20;
	s29 =	sor.u32 s8, s20;
	v36 =	vld [tilespmem:s0+$0x12C00];
	v31 =	vmul.f32 v31, v25;
	v28 =	vadd.f32 v29, v28  }
0x159: {  	s25 =	sor.u32 s16, s20;
	s13 =	sor.u32 s28, s20;
	v29 =	vld [tilespmem:s29+$0xC800];
	v30 =	vadd.f32 v30, v34;
	v32 =	vmul.f32 v32, v25  }
0x15a: {  	v34 =	vld [tilespmem:s5+$0xC800];
	v0 =	vmul.f32 v0, v25;
	v1 =	vadd.f32 v31, v1  }
0x15b: {  	p0 =	por !p0, !p0;
	s0 =	simm.s32 $0x1;
	v31 =	vld [tilespmem:s29+$0xC880];
	v35 =	vmul.f32 v35, v26;
	v28 =	vadd.f32 v32, v28  }
0x15c: {  	s0 =	simm.s32 @!p0 $0x0;
	v32 =	vld [tilespmem:s13+$0xC800];
	v0 =	vadd.f32 v0, v30;
	v30 =	vmul.f32 v33, v26  }
0x15d: {  	s0 =	sshll.u32 s0, $0x6;
	v33 =	vld [tilespmem:s29+$0xC900];
	v36 =	vmul.f32 v36, v26;
	v1 =	vadd.f32 v35, v1  }
0x15e: {  	s11 =	sadd.s32 $0x40, s11;
	s0 =	sadd.s32 s0, s24;
	v35 =	vld [tilespmem:s25+$0xC800];
	v29 =	vmul.f32 v29, v14;
	v28 =	vadd.f32 v30, v28  }
0x15f: {  	s1 =	sadd.s32 $0x10, s0;
	s3 =	sadd.s32 $0x20, s0;
	s30 =	sadd.s32 $0x30, s0;
	v30 =	vmul.f32 v34, v14;
	v34 =	vld [tilespmem:s29+$0xC980];
	v0 =	vadd.f32 v36, v0;
	[tilespmem:s26+$0x0] =	vst v1  }
0x160: {  	s1 =	sor.u32 $0x200, s1;
	s31 =	sor.u32 $0x200, s3;
	s26 =	sor.u32 $0x200, s30;
	v1 =	vld [tilespmem:s5+$0xC880];
	v29 =	vadd.f32 v29, v27;
	v31 =	vmul.f32 v31, v15;
	[tilespmem:s9+$0x0] =	vst v28  }
0x161: {  	s0 =	sor.u32 $0x200, s0;
	s3 =	sadd.s32 $0xC800, s20;
	v28 =	vadd.f32 v30, v27;
	v30 =	vmul.f32 v32, v14;
	v32 =	vld [tilespmem:s26+$0xC800];
	[tilespmem:s11+$0x0] =	vst v0  }
0x162: {  	s20 =	sor.u32 s10, s3;
	s30 =	sor.u32 s28, s3;
	s9 =	sor.u32 s8, s3;
	v0 =	vld [tilespmem:s13+$0xC880];
	v29 =	vadd.f32 v31, v29;
	v31 =	vmul.f32 v33, v16  }
0x163: {  	s16 =	sor.u32 s16, s3;
	v33 =	vmul.f32 v35, v14;
	v30 =	vadd.f32 v30, v27;
	v35 =	vld [tilespmem:s9+$0x280]  }
0x164: {  	v36 =	vld [tilespmem:s25+$0xC880];
	v29 =	vadd.f32 v31, v29;
	v31 =	vmul.f32 v34, v17  }
0x165: {  	v33 =	vadd.f32 v33, v27;
	v1 =	vmul.f32 v1, v15;
	v34 =	vld [tilespmem:s9+$0x300]  }
0x166: {  	v37 =	vld [tilespmem:s5+$0xC900];
	v29 =	vadd.f32 v31, v29;
	v31 =	vmul.f32 v32, v18  }
0x167: {  	v1 =	vadd.f32 v1, v28;
	v0 =	vmul.f32 v0, v15;
	v28 =	vld [tilespmem:s9+$0x380]  }
0x168: {  	v32 =	vld [tilespmem:s13+$0xC900];
	v29 =	vadd.f32 v31, v29;
	v31 =	vmul.f32 v35, v19  }
0x169: {  	v35 =	vmul.f32 v36, v15;
	v0 =	vadd.f32 v0, v30;
	v30 =	vld [tilespmem:s29+$0x12C00]  }
0x16a: {  	v36 =	vld [tilespmem:s25+$0xC900];
	v29 =	vadd.f32 v31, v29;
	v31 =	vmul.f32 v34, v20  }
0x16b: {  	v33 =	vadd.f32 v35, v33;
	v34 =	vmul.f32 v37, v16;
	v35 =	vld [tilespmem:s29+$0x12C80]  }
0x16c: {  	v37 =	vld [tilespmem:s5+$0xC980];
	v29 =	vadd.f32 v31, v29;
	v28 =	vmul.f32 v28, v21  }
0x16d: {  	v1 =	vadd.f32 v34, v1;
	v31 =	vmul.f32 v32, v16;
	v32 =	vld [tilespmem:s29+$0x12D00]  }
0x16e: {  	v34 =	vld [tilespmem:s13+$0xC980];
	v28 =	vadd.f32 v28, v29;
	v29 =	vmul.f32 v30, v22  }
0x16f: {  	v30 =	vmul.f32 v36, v16;
	v0 =	vadd.f32 v31, v0;
	v31 =	vld [tilespmem:s29+$0x12D80]  }
0x170: {  	v36 =	vld [tilespmem:s25+$0xC980];
	v28 =	vadd.f32 v29, v28;
	v29 =	vmul.f32 v35, v23  }
0x171: {  	v30 =	vadd.f32 v30, v33;
	v33 =	vmul.f32 v37, v17;
	v35 =	vld [tilespmem:s26+$0x12C00]  }
0x172: {  	v37 =	vld [tilespmem:s1+$0xC800];
	v28 =	vadd.f32 v29, v28;
	v29 =	vmul.f32 v32, v24  }
0x173: {  	v1 =	vadd.f32 v33, v1;
	v32 =	vmul.f32 v34, v17;
	v33 =	vld [tilespmem:s31+$0xC800]  }
0x174: {  	v34 =	vld [tilespmem:s0+$0xC800];
	v28 =	vadd.f32 v29, v28;
	v29 =	vmul.f32 v31, v25  }
0x175: {  	v31 =	vmul.f32 v36, v17;
	v36 =	vld [tilespmem:s20+$0x280];
	v0 =	vadd.f32 v32, v0  }
0x176: {  	v32 =	vld [tilespmem:s30+$0x280];
	v28 =	vadd.f32 v29, v28;
	v29 =	vmul.f32 v35, v26  }
0x177: {  	s3 =	sand.u32 $0xF80, s23;
	v30 =	vadd.f32 v31, v30;
	v31 =	vld [tilespmem:s16+$0x280];
	v35 =	vmul.f32 v37, v18  }
0x178: {  	s3 =	sor.u32 $0x19000, s3;
	v37 =	vld [tilespmem:s20+$0x300];
	v33 =	vmul.f32 v33, v18;
	v28 =	vadd.f32 v29, v28  }
0x179: {  	s9 =	sor.u32 s28, s3;
	s26 =	sor.u32 s10, s3;
	s3 =	sor.u32 s8, s3;
	v29 =	vmul.f32 v34, v18;
	v1 =	vadd.f32 v35, v1;
	v34 =	vld [tilespmem:s30+$0x300]  }
0x17a: {  	v35 =	vld [tilespmem:s16+$0x300];
	v36 =	vmul.f32 v36, v19;
	v0 =	vadd.f32 v33, v0;
	[tilespmem:s3+$0x0] =	vst v28  }
0x17b: {  	v28 =	vadd.f32 v29, v30;
	v29 =	vld [tilespmem:s20+$0x380];
	v30 =	vmul.f32 v32, v19  }
0x17c: {  	v31 =	vmul.f32 v31, v19;
	v1 =	vadd.f32 v36, v1;
	v32 =	vld [tilespmem:s30+$0x380]  }
0x17d: {  	v33 =	vld [tilespmem:s16+$0x380];
	v36 =	vmul.f32 v37, v20;
	v0 =	vadd.f32 v30, v0  }
0x17e: {  	v28 =	vadd.f32 v31, v28;
	v30 =	vld [tilespmem:s5+$0x12C00];
	v31 =	vmul.f32 v34, v20  }
0x17f: {  	v34 =	vmul.f32 v35, v20;
	v1 =	vadd.f32 v36, v1;
	v35 =	vld [tilespmem:s13+$0x12C00]  }
0x180: {  	v36 =	vld [tilespmem:s25+$0x12C00];
	v29 =	vmul.f32 v29, v21;
	v0 =	vadd.f32 v31, v0  }
0x181: {  	v28 =	vadd.f32 v34, v28;
	v31 =	vld [tilespmem:s5+$0x12C80];
	v32 =	vmul.f32 v32, v21  }
0x182: {  	v33 =	vmul.f32 v33, v21;
	v1 =	vadd.f32 v29, v1;
	v37 =	vld [tilespmem:s13+$0x12C80]  }
0x183: {  	v38 =	vld [tilespmem:s25+$0x12C80];
	v29 =	vmul.f32 v30, v22;
	v0 =	vadd.f32 v32, v0  }
.Ltmp7:
0x184: {  	v32 =	vadd.f32 v33, v28;
	v28 =	vld [tilespmem:s5+$0x12D00];
	v33 =	vmul.f32 v35, v22;
	(pc) =	sbr.rel @p1 .LBB2_8-.Ltmp7, $4  }
0x185: {  	v34 =	vmul.f32 v36, v22;
	v1 =	vadd.f32 v29, v1;
	v29 =	vld [tilespmem:s13+$0x12D00]  }
0x186: {  	v30 =	vld [tilespmem:s25+$0x12D00];
	v39 =	vmul.f32 v31, v23;
	v35 =	vadd.f32 v33, v0  }
0x187: {  	v34 =	vadd.f32 v34, v32;
	v31 =	vld [tilespmem:s5+$0x12D80];
	v37 =	vmul.f32 v37, v23  }
0x188: {  	v36 =	vmul.f32 v38, v23;
	v33 =	vadd.f32 v39, v1;
	v32 =	vld [tilespmem:s13+$0x12D80]  }
0x189: {  	v0 =	vld [tilespmem:s25+$0x12D80]  }
0x18a: {  	v1 =	vld [tilespmem:s1+$0x12C00]  }
0x18b: {  	v28 =	vmul.f32 v28, v24;
	v35 =	vadd.f32 v37, v35;
	v60 =	vld [tilespmem:s31+$0x12C00]  }
0x18c: {  	v61 =	vld [tilespmem:s0+$0x12C00];
	v34 =	vadd.f32 v36, v34;
	v29 =	vmul.f32 v29, v24;
	v30 =	vmul.f32 v30, v24  }
0x18d: {  	v28 =	vadd.f32 v28, v33;
	v31 =	vmul.f32 v31, v25  }
0x18e: {  	v29 =	vadd.f32 v29, v35;
	v30 =	vadd.f32 v30, v34;
	v32 =	vmul.f32 v32, v25  }
0x18f: {  	v0 =	vmul.f32 v0, v25;
	v28 =	vadd.f32 v31, v28;
	v1 =	vmul.f32 v1, v26  }
0x190: {  	v62 =	vmul.f32 v60, v26;
	v29 =	vadd.f32 v32, v29  }
0x191: {  	s29 =	sshll.u32 s22, $0x5;
	v63 =	vmul.f32 v61, v26;
	v0 =	vadd.f32 v0, v30;
	v1 =	vadd.f32 v1, v28  }
0x192: {  	s0 =	sor.u32 s4, s29;
	v28 =	vadd.f32 v62, v29  }
0x193: {  	s0 =	smul.u32 $0x190, s0;
	v0 =	vadd.f32 v63, v0;
	[tilespmem:s26+$0x0] =	vst v1  }
0x194: {  	s30 =	sadd.s32 $0x40, s11;
	s3 =	simm.s32 $0x0;
	[tilespmem:s9+$0x0] =	vst v28  }
.Ltmp8:
0x195: {  	s31 =	simm.s32 $0x19000;
	s0 =	sadd.s32 s6, s0;
	[tilespmem:s30+$0x0] =	vst v0;
	(pc) =	sbr.rel .LBB2_10-.Ltmp8, $4  }
0x196: {  	[hbm4b:s0+s3] =	stream.linear.scatter [tilespmem:s31], [sflag:$0x5], $0xC80, $0x38;
	[tilespmem:$0x19D00] =	vst v63  }
0x197: {  	_ =	swait.ge [sflag:s12], $0xC80  }
0x198: {  	[sflag:s12] =	ssyncset.done $0x0  }
0x199: {  	[sflag:s12] =	ssyncadd.s32 $0xFFFFF380  }
.LBB2_12:
0x19a: {  	_ =	sfence.sel $0x180000  }
0x19b: {  	[bflag:$0x0] =	sbarrier.arrive $0xFFFF  }
0x19c: {  	_ =	strace $0x90000047  }
0x19d: {  	s0 =	stileid.u32;
	[bflag:$0x2] =	sbarrier.arrive $0xFFFF  }
0x19e: {  	p0 =	sne.s32 s0, $0x0;
	s0 =	rddreg [dreg:$0x2]  }
0x19f: {  	s0 =	sadd.s32 @!p0 $0x100000, s0  }
0x1a0: {  	[sflag:s0] =	ssyncadd.tile.s32 @!p0 $0x1;
	_ =	shalt  }
.Lfunc_end2:
_tile_overlayer_lowered:
.L_overlay_start_2:
0x1a1: {  	(tag) =	ssettag $0x2  }
0x1a2: {  	s0 =	rddreg [dreg:$0x0];
	s2 =	stileid.u32  }
0x1a3: {  	s1 =	rddreg [dreg:$0x1];
	p0 =	sne.s32 s2, $0x0  }
0x1a4: {  	s3 =	rddreg [dreg:$0x2];
	[bflag:$0x3] =	sbarrier.arrive $0xFFFF;
	s2 =	simm.s32 @!p0 $0x1C05  }
0x1a5: {  	[timem:s3], [sflag:s2] =	dma.local @!p0 [hbm:s0], s1  }
0x1a6: {  	s0 =	simm.s32 @!p0 $0x5  }
0x1a7: {  	_ =	swait.ge @!p0 [sflag:s0], s1  }
0x1a8: {  	s1 =	ssub.s32 @!p0 $0x0, s1;
	[sflag:s0] =	ssyncset.done @!p0 $0x0  }
0x1a9: {  	[sflag:s0] =	ssyncadd.s32 @!p0 s1  }
0x1aa: {  	[bflag:$0x3] =	sbarrier.arrive $0xFFFF  }
0x1ab: {  	_ =	shalt  }

</sc_bundles>
